<compile_context>
chip_gen: v7x
topology: tpu7x:2x2x1
jax: 0.10.2.dev20260603
libtpu: 0.0.44.dev20260713+nightly
codegen_flags: <defaults>
</compile_context>

<pallas_src>
import functools

import jax
import jax.numpy as jnp
from jax import lax
from jax.experimental import pallas as pl
from jax.experimental.pallas import tpu as pltpu
from jax.experimental.pallas import tpu_sc as plsc

NUM_ACTIONS = 100000
EMBED_DIM = 64
HIDDEN_DIM = 256
BATCH = 16384
SEQ = 50

ROW_BLOCK = 4000

NC = 2
NS = 16
NW = NC * NS
B_PER_W = BATCH // NW
CHUNK = 128
CHUNKS_PER_S = B_PER_W // CHUNK
N_CHUNKS = SEQ * CHUNKS_PER_S
PACK_B = BATCH // 2


def _mlp_block(table_ref, w1_ref, b1_ref, w2_ref, b2_ref, out_ref):
    t = table_ref[...].astype(jnp.bfloat16)
    h = (
        jnp.dot(t, w1_ref[...].astype(jnp.bfloat16), preferred_element_type=jnp.float32)
        + b1_ref[...]
    )
    h = h * jax.nn.sigmoid(h)
    out_ref[...] = (
        jnp.dot(
            h.astype(jnp.bfloat16),
            w2_ref[...].astype(jnp.bfloat16),
            preferred_element_type=jnp.float32,
        )
        + b2_ref[...]
    )


def _fuse_table(table, W1, b1, W2, b2):
    grid = (NUM_ACTIONS // ROW_BLOCK,)
    return pl.pallas_call(
        _mlp_block,
        grid=grid,
        in_specs=[
            pl.BlockSpec((ROW_BLOCK, HIDDEN_DIM), lambda i: (i, 0)),
            pl.BlockSpec((HIDDEN_DIM, HIDDEN_DIM), lambda i: (0, 0)),
            pl.BlockSpec((1, HIDDEN_DIM), lambda i: (0, 0)),
            pl.BlockSpec((HIDDEN_DIM, EMBED_DIM), lambda i: (0, 0)),
            pl.BlockSpec((1, EMBED_DIM), lambda i: (0, 0)),
        ],
        out_specs=pl.BlockSpec((ROW_BLOCK, EMBED_DIM), lambda i: (i, 0)),
        out_shape=jax.ShapeDtypeStruct((NUM_ACTIONS, EMBED_DIM), jnp.float32),
    )(table, W1, b1.reshape(1, HIDDEN_DIM), W2, b2.reshape(1, EMBED_DIM))


def _gather_body(
    fused_hbm, idxt_hbm, out_hbm, idx_v, rows_v, sem_a, sem_b, sem_c, sem_d
):
    wid = lax.axis_index("s") * NC + lax.axis_index("c")
    b0 = wid * B_PER_W
    pltpu.sync_copy(idxt_hbm.at[:, pl.ds(b0, B_PER_W)], idx_v)

    def fire(c, slot, sem):
        s = c // CHUNKS_PER_S
        j = lax.rem(c, CHUNKS_PER_S)
        pltpu.async_copy(
            fused_hbm.at[idx_v.at[s, pl.ds(j * CHUNK, CHUNK)]],
            rows_v.at[slot],
            sem,
        )

    def drain_and_write(c, slot, sem):
        pltpu.make_async_copy(
            fused_hbm.at[idx_v.at[0, pl.ds(0, CHUNK)]], rows_v.at[slot], sem
        ).wait()
        s = c // CHUNKS_PER_S
        j = lax.rem(c, CHUNKS_PER_S)
        p0 = wid * (B_PER_W // 2) + lax.rem(j, 2) * CHUNK
        col = (j // 2) * EMBED_DIM
        pltpu.sync_copy(
            rows_v.at[slot],
            out_hbm.at[s, pl.ds(p0, CHUNK), pl.ds(col, EMBED_DIM)],
        )

    sems = (sem_a, sem_b, sem_c, sem_d)
    fire(0, 0, sems[0])
    fire(1, 1, sems[1])

    def step(c, _):
        phase = lax.rem(c, 4)

        for k in range(4):

            @pl.when(jnp.logical_and(phase == k, c + 2 < N_CHUNKS))
            def _(k=k):
                fire(c + 2, (k + 2) % 4, sems[(k + 2) % 4])

        for k in range(4):

            @pl.when(phase == k)
            def _(k=k):
                drain_and_write(c, k, sems[k])

        return 0

    lax.fori_loop(0, N_CHUNKS, step, 0)


@jax.jit
def _sc_gather(fused, idxt):
    mesh = plsc.VectorSubcoreMesh(core_axis_name="c", subcore_axis_name="s")
    return pl.kernel(
        _gather_body,
        out_type=jax.ShapeDtypeStruct((SEQ, PACK_B, 2 * EMBED_DIM), jnp.float32),
        mesh=mesh,
        compiler_params=pltpu.CompilerParams(use_tc_tiling_on_sc=False),
        scratch_types=[
            pltpu.VMEM((SEQ, B_PER_W), jnp.int32),
            pltpu.VMEM((4, CHUNK, EMBED_DIM), jnp.float32),
            pltpu.SemaphoreType.DMA,
            pltpu.SemaphoreType.DMA,
            pltpu.SemaphoreType.DMA,
            pltpu.SemaphoreType.DMA,
        ],
    )(fused, idxt)


UNPACK_P = 256


def _unpack_block(packed_ref, out_ref):
    x = packed_ref[...]
    lo = x[:, :, :EMBED_DIM].transpose(0, 2, 1)
    hi = x[:, :, EMBED_DIM:].transpose(0, 2, 1)
    out_ref[...] = jnp.concatenate([lo, hi], axis=2)


def _unpack(packed):
    return pl.pallas_call(
        _unpack_block,
        grid=(PACK_B // UNPACK_P,),
        in_specs=[pl.BlockSpec((SEQ, UNPACK_P, 128), lambda i: (0, i, 0))],
        out_specs=pl.BlockSpec(
            (SEQ, EMBED_DIM, 2 * UNPACK_P), lambda i: (0, 0, i)
        ),
        out_shape=jax.ShapeDtypeStruct((SEQ, EMBED_DIM, BATCH), jnp.float32),
    )(packed)


def kernel(action_indices, table, W1, b1, W2, b2):
    idxt = action_indices.astype(jnp.int32).T
    fused = _fuse_table(table, W1, b1, W2, b2)
    return jnp.transpose(_unpack(_sc_gather(fused, idxt)), (2, 0, 1))

# --- scband reference (transcript-rebuilt; emitter-appended) ---
"""Pipeline reference for scband-action-embedding-84911503442690 (READ-ONLY COPY).

The authoritative reference and input builder live on the scoring server;
editing this copy changes nothing except your own understanding.
"""

import jax, jax.numpy as jnp
import numpy as np

NUM_ACTIONS = 100000
EMBED_DIM = 64
HIDDEN_DIM = 256
BATCH = 16384
SEQ = 50

def setup_inputs(seed: int = 0) -> dict:
    key = jax.random.key(seed)
    k_idx, k_tab, k_w1, k_b1, k_w2, k_b2 = jax.random.split(key, 6)
    action_indices = jax.random.randint(k_idx, (BATCH, SEQ), 0, NUM_ACTIONS, dtype=jnp.int64 if jax.config.jax_enable_x64 else jnp.int32)
    table = jax.random.normal(k_tab, (NUM_ACTIONS, HIDDEN_DIM), dtype=jnp.float32)
    # Linear layers stored as (in, out) so forward is x @ W + b (math-equivalent to torch x @ W.T + b)
    W1 = jax.random.normal(k_w1, (HIDDEN_DIM, HIDDEN_DIM), dtype=jnp.float32) * (1.0 / np.sqrt(HIDDEN_DIM))
    b1 = jax.random.normal(k_b1, (HIDDEN_DIM,), dtype=jnp.float32) * 0.01
    W2 = jax.random.normal(k_w2, (HIDDEN_DIM, EMBED_DIM), dtype=jnp.float32) * (1.0 / np.sqrt(HIDDEN_DIM))
    b2 = jax.random.normal(k_b2, (EMBED_DIM,), dtype=jnp.float32) * 0.01
    return {"action_indices": action_indices, "table": table, "W1": W1, "b1": b1, "W2": W2, "b2": b2}

def reference(action_indices, table, W1, b1, W2, b2):
    # embedding lookup (gather)
    embeds = jnp.take(table, action_indices, axis=0)  # (B, S, hidden)
    # proj: Linear -> SiLU -> Linear
    h = embeds @ W1 + b1
    h = h * jax.nn.sigmoid(h)  # SiLU
    out = h @ W2 + b2  # (B, S, embed_dim)
    return out

if __name__ == "__main__":
    import jax
    _d = setup_inputs()
    print(jax.jit(kernel)(*tuple(_d.values())))

</pallas_src>

<mosaic_0001>
#map = affine_map<(d0, d1) -> (0, 0)>
#map1 = affine_map<(d0, d1) -> (0, 0, 0)>
module attributes {stable_mosaic.version = 14 : i64} {
  func.func @_gather_body(%arg0: i32, %arg1: i32, %arg2: memref<100000x64xf32, #tpu.memory_space<hbm>>, %arg3: memref<50x16384xi32, #tpu.memory_space<hbm>>, %arg4: memref<50x8192x128xf32, #tpu.memory_space<hbm>>, %arg5: memref<50x512xi32, #tpu.memory_space<vmem>>, %arg6: memref<4x128x64xf32, #tpu.memory_space<vmem>>, %arg7: memref<!tpu.dma_semaphore, #tpu.memory_space<semaphore_mem>>, %arg8: memref<!tpu.dma_semaphore, #tpu.memory_space<semaphore_mem>>, %arg9: memref<!tpu.dma_semaphore, #tpu.memory_space<semaphore_mem>>, %arg10: memref<!tpu.dma_semaphore, #tpu.memory_space<semaphore_mem>>) attributes {dimension_semantics = [#tpu.dimension_semantics<core_parallel>, #tpu.dimension_semantics<subcore_parallel>], iteration_bounds = array<i64: 2, 16>, scalar_prefetch = 0 : i64, scratch_operands = 6 : i64, tpu.core_type = #tpu.core_type<sc_vector_subcore>, window_params = [{transform_indices = #map}, {transform_indices = #map}, {transform_indices = #map1}]} {
    %mul3A = arith.constant 2 : i32
    %mul3A_0 = arith.muli %arg1, %mul3A : i32
    %add3A = arith.addi %mul3A_0, %arg0 : i32
    %mul3A_1 = arith.constant 512 : i32
    %mul3A_2 = arith.muli %add3A, %mul3A_1 : i32
    "tpu.region"() ({
      %run_scoped3A = tpu.sem_alloc : memref<!tpu.dma_semaphore, #tpu.memory_space<semaphore_mem>>
      %dma_start3A_39 = arith.constant 0 : i32
      %dma_start3A_40 = tpu.memref_slice %arg3[%dma_start3A_39, %mul3A_2] : memref<50x16384xi32, #tpu.memory_space<hbm>> -> memref<50x512xi32, #tpu.memory_space<hbm>>
      %dma_start3A_41 = arith.constant 0 : i32
      %dma_start3A_42 = tpu.memref_slice %arg3[%dma_start3A_41, %mul3A_2] : memref<50x16384xi32, #tpu.memory_space<hbm>> -> memref<50x512xi32, #tpu.memory_space<hbm>>
      tpu.enqueue_dma source(%dma_start3A_42 : memref<50x512xi32, #tpu.memory_space<hbm>>) target(%arg5 : memref<50x512xi32, #tpu.memory_space<vmem>>) target_semaphore(%run_scoped3A : memref<!tpu.dma_semaphore, #tpu.memory_space<semaphore_mem>>)
      %dma_wait3A = arith.constant 0 : i32
      %dma_wait3A_43 = tpu.memref_slice %arg3[%dma_wait3A, %mul3A_2] : memref<50x16384xi32, #tpu.memory_space<hbm>> -> memref<50x512xi32, #tpu.memory_space<hbm>>
      %dma_wait3A_44 = arith.constant 0 : i32
      %dma_wait3A_45 = tpu.memref_slice %arg3[%dma_wait3A_44, %mul3A_2] : memref<50x16384xi32, #tpu.memory_space<hbm>> -> memref<50x512xi32, #tpu.memory_space<hbm>>
      tpu.wait_dma2 semaphore(%run_scoped3A : memref<!tpu.dma_semaphore, #tpu.memory_space<semaphore_mem>>) src(%dma_wait3A_45 : memref<50x512xi32, #tpu.memory_space<hbm>>) dst(%arg5 : memref<50x512xi32, #tpu.memory_space<vmem>>)
      tpu.yield
    }) : () -> ()
    %rem3A = arith.constant 0 : i32
    %rem3A_3 = arith.constant 4 : i32
    %rem3A_4 = arith.remsi %rem3A, %rem3A_3 : i32
    %mul3A_5 = arith.constant 128 : i32
    %mul3A_6 = arith.muli %rem3A_4, %mul3A_5 : i32
    %dma_start3A = arith.constant 0 : i32
    %dma_start3A_7 = arith.constant 0 : i32
    %dma_start3A_8 = arith.constant 0 : i32
    %dma_start3A_9 = arith.constant 0 : i32
    %dma_start3A_10 = tpu.memref_slice %arg6[%dma_start3A_7, %dma_start3A_8, %dma_start3A_9] : memref<4x128x64xf32, #tpu.memory_space<vmem>> -> memref<1x128x64xf32, #tpu.memory_space<vmem>>
    %dma_start3A_11 = tpu.memref_squeeze %dma_start3A_10 : memref<1x128x64xf32, #tpu.memory_space<vmem>> -> memref<128x64xf32, #tpu.memory_space<vmem>>
    %dma_start3A_12 = tpu.memref_slice %arg5[%dma_start3A, %mul3A_6] : memref<50x512xi32, #tpu.memory_space<vmem>> -> memref<1x128xi32, #tpu.memory_space<vmem>>
    %dma_start3A_13 = tpu.memref_squeeze %dma_start3A_12 : memref<1x128xi32, #tpu.memory_space<vmem>> -> memref<128xi32, #tpu.memory_space<vmem>>
    %dma_start3A_14 = arith.constant 0 : i32
    %dma_start3A_15 = arith.constant 0 : i32
    %dma_start3A_16 = tpu.memref_slice %arg2[%dma_start3A_14, %dma_start3A_15] : memref<100000x64xf32, #tpu.memory_space<hbm>> -> memref<100000x64xf32, #tpu.memory_space<hbm>>
    tpu.enqueue_indirect_dma source(%dma_start3A_16 : memref<100000x64xf32, #tpu.memory_space<hbm>>) target(%dma_start3A_11 : memref<128x64xf32, #tpu.memory_space<vmem>>) offsets(%dma_start3A_13 : memref<128xi32, #tpu.memory_space<vmem>>) semaphore(%arg7 : memref<!tpu.dma_semaphore, #tpu.memory_space<semaphore_mem>>)
    %rem3A_17 = arith.constant 1 : i32
    %rem3A_18 = arith.constant 4 : i32
    %rem3A_19 = arith.remsi %rem3A_17, %rem3A_18 : i32
    %mul3A_20 = arith.constant 128 : i32
    %mul3A_21 = arith.muli %rem3A_19, %mul3A_20 : i32
    %dma_start3A_22 = arith.constant 0 : i32
    %dma_start3A_23 = arith.constant 1 : i32
    %dma_start3A_24 = arith.constant 0 : i32
    %dma_start3A_25 = arith.constant 0 : i32
    %dma_start3A_26 = tpu.memref_slice %arg6[%dma_start3A_23, %dma_start3A_24, %dma_start3A_25] : memref<4x128x64xf32, #tpu.memory_space<vmem>> -> memref<1x128x64xf32, #tpu.memory_space<vmem>>
    %dma_start3A_27 = tpu.memref_squeeze %dma_start3A_26 : memref<1x128x64xf32, #tpu.memory_space<vmem>> -> memref<128x64xf32, #tpu.memory_space<vmem>>
    %dma_start3A_28 = tpu.memref_slice %arg5[%dma_start3A_22, %mul3A_21] : memref<50x512xi32, #tpu.memory_space<vmem>> -> memref<1x128xi32, #tpu.memory_space<vmem>>
    %dma_start3A_29 = tpu.memref_squeeze %dma_start3A_28 : memref<1x128xi32, #tpu.memory_space<vmem>> -> memref<128xi32, #tpu.memory_space<vmem>>
    %dma_start3A_30 = arith.constant 0 : i32
    %dma_start3A_31 = arith.constant 0 : i32
    %dma_start3A_32 = tpu.memref_slice %arg2[%dma_start3A_30, %dma_start3A_31] : memref<100000x64xf32, #tpu.memory_space<hbm>> -> memref<100000x64xf32, #tpu.memory_space<hbm>>
    tpu.enqueue_indirect_dma source(%dma_start3A_32 : memref<100000x64xf32, #tpu.memory_space<hbm>>) target(%dma_start3A_27 : memref<128x64xf32, #tpu.memory_space<vmem>>) offsets(%dma_start3A_29 : memref<128xi32, #tpu.memory_space<vmem>>) semaphore(%arg8 : memref<!tpu.dma_semaphore, #tpu.memory_space<semaphore_mem>>)
    %scan3A = arith.constant 0 : i32
    %scan3A_33 = arith.constant 0 : i32
    %scan3A_34 = arith.constant 200 : i32
    %scan3A_35 = arith.addi %scan3A_33, %scan3A_34 : i32
    %scan3A_36 = arith.constant 1 : i32
    %scan3A_37 = scf.for %scan3A_39 = %scan3A_33 to %scan3A_35 step %scan3A_36 iter_args(%scan3A_40 = %scan3A) -> (i32)  : i32 {
      %rem3A_41 = arith.constant 4 : i32
      %rem3A_42 = arith.remsi %scan3A_39, %rem3A_41 : i32
      %eq3A = arith.constant 0 : i32
      %eq3A_43 = arith.cmpi eq, %rem3A_42, %eq3A : i32
      %add3A_44 = arith.constant 2 : i32
      %add3A_45 = arith.addi %scan3A_39, %add3A_44 : i32
      %lt3A = arith.constant 200 : i32
      %lt3A_46 = arith.cmpi slt, %add3A_45, %lt3A : i32
      %and3A = arith.andi %eq3A_43, %lt3A_46 : i1
      %convert_element_type3A = arith.extui %and3A : i1 to i32
      %cond3A = arith.constant 0 : i32
      %cond3A_47 = arith.cmpi ne, %convert_element_type3A, %cond3A : i32
      scf.if %cond3A_47 {
        %add3A_99 = arith.constant 2 : i32
        %add3A_100 = arith.addi %scan3A_39, %add3A_99 : i32
        %jit3A = arith.constant 4 : i32
        %div3A = arith.divsi %add3A_100, %jit3A : i32
        %sign3A = arith.constant 0 : i32
        %sign3A_101 = arith.cmpi sgt, %add3A_100, %sign3A : i32
        %sign3A_102 = arith.extui %sign3A_101 : i1 to i32
        %sign3A_103 = arith.constant 0 : i32
        %sign3A_104 = arith.cmpi slt, %add3A_100, %sign3A_103 : i32
        %sign3A_105 = arith.extui %sign3A_104 : i1 to i32
        %sign3A_106 = arith.subi %sign3A_102, %sign3A_105 : i32
        %sign3A_107 = arith.constant 0 : i32
        %sign3A_108 = arith.cmpi sgt, %jit3A, %sign3A_107 : i32
        %sign3A_109 = arith.extui %sign3A_108 : i1 to i32
        %sign3A_110 = arith.constant 0 : i32
        %sign3A_111 = arith.cmpi slt, %jit3A, %sign3A_110 : i32
        %sign3A_112 = arith.extui %sign3A_111 : i1 to i32
        %sign3A_113 = arith.subi %sign3A_109, %sign3A_112 : i32
        %ne3A = arith.cmpi ne, %sign3A_106, %sign3A_113 : i32
        %rem3A_114 = arith.remsi %add3A_100, %jit3A : i32
        %ne3A_115 = arith.constant 0 : i32
        %ne3A_116 = arith.cmpi ne, %rem3A_114, %ne3A_115 : i32
        %and3A_117 = arith.andi %ne3A, %ne3A_116 : i1
        %sub3A = arith.constant 1 : i32
        %sub3A_118 = arith.subi %div3A, %sub3A : i32
        %select_n3A = arith.select %and3A_117, %sub3A_118, %div3A : i32
        %rem3A_119 = arith.constant 4 : i32
        %rem3A_120 = arith.remsi %add3A_100, %rem3A_119 : i32
        %mul3A_121 = arith.constant 128 : i32
        %mul3A_122 = arith.muli %rem3A_120, %mul3A_121 : i32
        %dma_start3A_123 = arith.constant 2 : i32
        %dma_start3A_124 = arith.constant 0 : i32
        %dma_start3A_125 = arith.constant 0 : i32
        %dma_start3A_126 = tpu.memref_slice %arg6[%dma_start3A_123, %dma_start3A_124, %dma_start3A_125] : memref<4x128x64xf32, #tpu.memory_space<vmem>> -> memref<1x128x64xf32, #tpu.memory_space<vmem>>
        %dma_start3A_127 = tpu.memref_squeeze %dma_start3A_126 : memref<1x128x64xf32, #tpu.memory_space<vmem>> -> memref<128x64xf32, #tpu.memory_space<vmem>>
        %dma_start3A_128 = tpu.memref_slice %arg5[%select_n3A, %mul3A_122] : memref<50x512xi32, #tpu.memory_space<vmem>> -> memref<1x128xi32, #tpu.memory_space<vmem>>
        %dma_start3A_129 = tpu.memref_squeeze %dma_start3A_128 : memref<1x128xi32, #tpu.memory_space<vmem>> -> memref<128xi32, #tpu.memory_space<vmem>>
        %dma_start3A_130 = arith.constant 0 : i32
        %dma_start3A_131 = arith.constant 0 : i32
        %dma_start3A_132 = tpu.memref_slice %arg2[%dma_start3A_130, %dma_start3A_131] : memref<100000x64xf32, #tpu.memory_space<hbm>> -> memref<100000x64xf32, #tpu.memory_space<hbm>>
        tpu.enqueue_indirect_dma source(%dma_start3A_132 : memref<100000x64xf32, #tpu.memory_space<hbm>>) target(%dma_start3A_127 : memref<128x64xf32, #tpu.memory_space<vmem>>) offsets(%dma_start3A_129 : memref<128xi32, #tpu.memory_space<vmem>>) semaphore(%arg9 : memref<!tpu.dma_semaphore, #tpu.memory_space<semaphore_mem>>)
      } else {
      }
      %eq3A_48 = arith.constant 1 : i32
      %eq3A_49 = arith.cmpi eq, %rem3A_42, %eq3A_48 : i32
      %add3A_50 = arith.constant 2 : i32
      %add3A_51 = arith.addi %scan3A_39, %add3A_50 : i32
      %lt3A_52 = arith.constant 200 : i32
      %lt3A_53 = arith.cmpi slt, %add3A_51, %lt3A_52 : i32
      %and3A_54 = arith.andi %eq3A_49, %lt3A_53 : i1
      %convert_element_type3A_55 = arith.extui %and3A_54 : i1 to i32
      %cond3A_56 = arith.constant 0 : i32
      %cond3A_57 = arith.cmpi ne, %convert_element_type3A_55, %cond3A_56 : i32
      scf.if %cond3A_57 {
        %add3A_99 = arith.constant 2 : i32
        %add3A_100 = arith.addi %scan3A_39, %add3A_99 : i32
        %jit3A = arith.constant 4 : i32
        %div3A = arith.divsi %add3A_100, %jit3A : i32
        %sign3A = arith.constant 0 : i32
        %sign3A_101 = arith.cmpi sgt, %add3A_100, %sign3A : i32
        %sign3A_102 = arith.extui %sign3A_101 : i1 to i32
        %sign3A_103 = arith.constant 0 : i32
        %sign3A_104 = arith.cmpi slt, %add3A_100, %sign3A_103 : i32
        %sign3A_105 = arith.extui %sign3A_104 : i1 to i32
        %sign3A_106 = arith.subi %sign3A_102, %sign3A_105 : i32
        %sign3A_107 = arith.constant 0 : i32
        %sign3A_108 = arith.cmpi sgt, %jit3A, %sign3A_107 : i32
        %sign3A_109 = arith.extui %sign3A_108 : i1 to i32
        %sign3A_110 = arith.constant 0 : i32
        %sign3A_111 = arith.cmpi slt, %jit3A, %sign3A_110 : i32
        %sign3A_112 = arith.extui %sign3A_111 : i1 to i32
        %sign3A_113 = arith.subi %sign3A_109, %sign3A_112 : i32
        %ne3A = arith.cmpi ne, %sign3A_106, %sign3A_113 : i32
        %rem3A_114 = arith.remsi %add3A_100, %jit3A : i32
        %ne3A_115 = arith.constant 0 : i32
        %ne3A_116 = arith.cmpi ne, %rem3A_114, %ne3A_115 : i32
        %and3A_117 = arith.andi %ne3A, %ne3A_116 : i1
        %sub3A = arith.constant 1 : i32
        %sub3A_118 = arith.subi %div3A, %sub3A : i32
        %select_n3A = arith.select %and3A_117, %sub3A_118, %div3A : i32
        %rem3A_119 = arith.constant 4 : i32
        %rem3A_120 = arith.remsi %add3A_100, %rem3A_119 : i32
        %mul3A_121 = arith.constant 128 : i32
        %mul3A_122 = arith.muli %rem3A_120, %mul3A_121 : i32
        %dma_start3A_123 = arith.constant 3 : i32
        %dma_start3A_124 = arith.constant 0 : i32
        %dma_start3A_125 = arith.constant 0 : i32
        %dma_start3A_126 = tpu.memref_slice %arg6[%dma_start3A_123, %dma_start3A_124, %dma_start3A_125] : memref<4x128x64xf32, #tpu.memory_space<vmem>> -> memref<1x128x64xf32, #tpu.memory_space<vmem>>
        %dma_start3A_127 = tpu.memref_squeeze %dma_start3A_126 : memref<1x128x64xf32, #tpu.memory_space<vmem>> -> memref<128x64xf32, #tpu.memory_space<vmem>>
        %dma_start3A_128 = tpu.memref_slice %arg5[%select_n3A, %mul3A_122] : memref<50x512xi32, #tpu.memory_space<vmem>> -> memref<1x128xi32, #tpu.memory_space<vmem>>
        %dma_start3A_129 = tpu.memref_squeeze %dma_start3A_128 : memref<1x128xi32, #tpu.memory_space<vmem>> -> memref<128xi32, #tpu.memory_space<vmem>>
        %dma_start3A_130 = arith.constant 0 : i32
        %dma_start3A_131 = arith.constant 0 : i32
        %dma_start3A_132 = tpu.memref_slice %arg2[%dma_start3A_130, %dma_start3A_131] : memref<100000x64xf32, #tpu.memory_space<hbm>> -> memref<100000x64xf32, #tpu.memory_space<hbm>>
        tpu.enqueue_indirect_dma source(%dma_start3A_132 : memref<100000x64xf32, #tpu.memory_space<hbm>>) target(%dma_start3A_127 : memref<128x64xf32, #tpu.memory_space<vmem>>) offsets(%dma_start3A_129 : memref<128xi32, #tpu.memory_space<vmem>>) semaphore(%arg10 : memref<!tpu.dma_semaphore, #tpu.memory_space<semaphore_mem>>)
      } else {
      }
      %eq3A_58 = arith.constant 2 : i32
      %eq3A_59 = arith.cmpi eq, %rem3A_42, %eq3A_58 : i32
      %add3A_60 = arith.constant 2 : i32
      %add3A_61 = arith.addi %scan3A_39, %add3A_60 : i32
      %lt3A_62 = arith.constant 200 : i32
      %lt3A_63 = arith.cmpi slt, %add3A_61, %lt3A_62 : i32
      %and3A_64 = arith.andi %eq3A_59, %lt3A_63 : i1
      %convert_element_type3A_65 = arith.extui %and3A_64 : i1 to i32
      %cond3A_66 = arith.constant 0 : i32
      %cond3A_67 = arith.cmpi ne, %convert_element_type3A_65, %cond3A_66 : i32
      scf.if %cond3A_67 {
        %add3A_99 = arith.constant 2 : i32
        %add3A_100 = arith.addi %scan3A_39, %add3A_99 : i32
        %jit3A = arith.constant 4 : i32
        %div3A = arith.divsi %add3A_100, %jit3A : i32
        %sign3A = arith.constant 0 : i32
        %sign3A_101 = arith.cmpi sgt, %add3A_100, %sign3A : i32
        %sign3A_102 = arith.extui %sign3A_101 : i1 to i32
        %sign3A_103 = arith.constant 0 : i32
        %sign3A_104 = arith.cmpi slt, %add3A_100, %sign3A_103 : i32
        %sign3A_105 = arith.extui %sign3A_104 : i1 to i32
        %sign3A_106 = arith.subi %sign3A_102, %sign3A_105 : i32
        %sign3A_107 = arith.constant 0 : i32
        %sign3A_108 = arith.cmpi sgt, %jit3A, %sign3A_107 : i32
        %sign3A_109 = arith.extui %sign3A_108 : i1 to i32
        %sign3A_110 = arith.constant 0 : i32
        %sign3A_111 = arith.cmpi slt, %jit3A, %sign3A_110 : i32
        %sign3A_112 = arith.extui %sign3A_111 : i1 to i32
        %sign3A_113 = arith.subi %sign3A_109, %sign3A_112 : i32
        %ne3A = arith.cmpi ne, %sign3A_106, %sign3A_113 : i32
        %rem3A_114 = arith.remsi %add3A_100, %jit3A : i32
        %ne3A_115 = arith.constant 0 : i32
        %ne3A_116 = arith.cmpi ne, %rem3A_114, %ne3A_115 : i32
        %and3A_117 = arith.andi %ne3A, %ne3A_116 : i1
        %sub3A = arith.constant 1 : i32
        %sub3A_118 = arith.subi %div3A, %sub3A : i32
        %select_n3A = arith.select %and3A_117, %sub3A_118, %div3A : i32
        %rem3A_119 = arith.constant 4 : i32
        %rem3A_120 = arith.remsi %add3A_100, %rem3A_119 : i32
        %mul3A_121 = arith.constant 128 : i32
        %mul3A_122 = arith.muli %rem3A_120, %mul3A_121 : i32
        %dma_start3A_123 = arith.constant 0 : i32
        %dma_start3A_124 = arith.constant 0 : i32
        %dma_start3A_125 = arith.constant 0 : i32
        %dma_start3A_126 = tpu.memref_slice %arg6[%dma_start3A_123, %dma_start3A_124, %dma_start3A_125] : memref<4x128x64xf32, #tpu.memory_space<vmem>> -> memref<1x128x64xf32, #tpu.memory_space<vmem>>
        %dma_start3A_127 = tpu.memref_squeeze %dma_start3A_126 : memref<1x128x64xf32, #tpu.memory_space<vmem>> -> memref<128x64xf32, #tpu.memory_space<vmem>>
        %dma_start3A_128 = tpu.memref_slice %arg5[%select_n3A, %mul3A_122] : memref<50x512xi32, #tpu.memory_space<vmem>> -> memref<1x128xi32, #tpu.memory_space<vmem>>
        %dma_start3A_129 = tpu.memref_squeeze %dma_start3A_128 : memref<1x128xi32, #tpu.memory_space<vmem>> -> memref<128xi32, #tpu.memory_space<vmem>>
        %dma_start3A_130 = arith.constant 0 : i32
        %dma_start3A_131 = arith.constant 0 : i32
        %dma_start3A_132 = tpu.memref_slice %arg2[%dma_start3A_130, %dma_start3A_131] : memref<100000x64xf32, #tpu.memory_space<hbm>> -> memref<100000x64xf32, #tpu.memory_space<hbm>>
        tpu.enqueue_indirect_dma source(%dma_start3A_132 : memref<100000x64xf32, #tpu.memory_space<hbm>>) target(%dma_start3A_127 : memref<128x64xf32, #tpu.memory_space<vmem>>) offsets(%dma_start3A_129 : memref<128xi32, #tpu.memory_space<vmem>>) semaphore(%arg7 : memref<!tpu.dma_semaphore, #tpu.memory_space<semaphore_mem>>)
      } else {
      }
      %eq3A_68 = arith.constant 3 : i32
      %eq3A_69 = arith.cmpi eq, %rem3A_42, %eq3A_68 : i32
      %add3A_70 = arith.constant 2 : i32
      %add3A_71 = arith.addi %scan3A_39, %add3A_70 : i32
      %lt3A_72 = arith.constant 200 : i32
      %lt3A_73 = arith.cmpi slt, %add3A_71, %lt3A_72 : i32
      %and3A_74 = arith.andi %eq3A_69, %lt3A_73 : i1
      %convert_element_type3A_75 = arith.extui %and3A_74 : i1 to i32
      %cond3A_76 = arith.constant 0 : i32
      %cond3A_77 = arith.cmpi ne, %convert_element_type3A_75, %cond3A_76 : i32
      scf.if %cond3A_77 {
        %add3A_99 = arith.constant 2 : i32
        %add3A_100 = arith.addi %scan3A_39, %add3A_99 : i32
        %jit3A = arith.constant 4 : i32
        %div3A = arith.divsi %add3A_100, %jit3A : i32
        %sign3A = arith.constant 0 : i32
        %sign3A_101 = arith.cmpi sgt, %add3A_100, %sign3A : i32
        %sign3A_102 = arith.extui %sign3A_101 : i1 to i32
        %sign3A_103 = arith.constant 0 : i32
        %sign3A_104 = arith.cmpi slt, %add3A_100, %sign3A_103 : i32
        %sign3A_105 = arith.extui %sign3A_104 : i1 to i32
        %sign3A_106 = arith.subi %sign3A_102, %sign3A_105 : i32
        %sign3A_107 = arith.constant 0 : i32
        %sign3A_108 = arith.cmpi sgt, %jit3A, %sign3A_107 : i32
        %sign3A_109 = arith.extui %sign3A_108 : i1 to i32
        %sign3A_110 = arith.constant 0 : i32
        %sign3A_111 = arith.cmpi slt, %jit3A, %sign3A_110 : i32
        %sign3A_112 = arith.extui %sign3A_111 : i1 to i32
        %sign3A_113 = arith.subi %sign3A_109, %sign3A_112 : i32
        %ne3A = arith.cmpi ne, %sign3A_106, %sign3A_113 : i32
        %rem3A_114 = arith.remsi %add3A_100, %jit3A : i32
        %ne3A_115 = arith.constant 0 : i32
        %ne3A_116 = arith.cmpi ne, %rem3A_114, %ne3A_115 : i32
        %and3A_117 = arith.andi %ne3A, %ne3A_116 : i1
        %sub3A = arith.constant 1 : i32
        %sub3A_118 = arith.subi %div3A, %sub3A : i32
        %select_n3A = arith.select %and3A_117, %sub3A_118, %div3A : i32
        %rem3A_119 = arith.constant 4 : i32
        %rem3A_120 = arith.remsi %add3A_100, %rem3A_119 : i32
        %mul3A_121 = arith.constant 128 : i32
        %mul3A_122 = arith.muli %rem3A_120, %mul3A_121 : i32
        %dma_start3A_123 = arith.constant 1 : i32
        %dma_start3A_124 = arith.constant 0 : i32
        %dma_start3A_125 = arith.constant 0 : i32
        %dma_start3A_126 = tpu.memref_slice %arg6[%dma_start3A_123, %dma_start3A_124, %dma_start3A_125] : memref<4x128x64xf32, #tpu.memory_space<vmem>> -> memref<1x128x64xf32, #tpu.memory_space<vmem>>
        %dma_start3A_127 = tpu.memref_squeeze %dma_start3A_126 : memref<1x128x64xf32, #tpu.memory_space<vmem>> -> memref<128x64xf32, #tpu.memory_space<vmem>>
        %dma_start3A_128 = tpu.memref_slice %arg5[%select_n3A, %mul3A_122] : memref<50x512xi32, #tpu.memory_space<vmem>> -> memref<1x128xi32, #tpu.memory_space<vmem>>
        %dma_start3A_129 = tpu.memref_squeeze %dma_start3A_128 : memref<1x128xi32, #tpu.memory_space<vmem>> -> memref<128xi32, #tpu.memory_space<vmem>>
        %dma_start3A_130 = arith.constant 0 : i32
        %dma_start3A_131 = arith.constant 0 : i32
        %dma_start3A_132 = tpu.memref_slice %arg2[%dma_start3A_130, %dma_start3A_131] : memref<100000x64xf32, #tpu.memory_space<hbm>> -> memref<100000x64xf32, #tpu.memory_space<hbm>>
        tpu.enqueue_indirect_dma source(%dma_start3A_132 : memref<100000x64xf32, #tpu.memory_space<hbm>>) target(%dma_start3A_127 : memref<128x64xf32, #tpu.memory_space<vmem>>) offsets(%dma_start3A_129 : memref<128xi32, #tpu.memory_space<vmem>>) semaphore(%arg8 : memref<!tpu.dma_semaphore, #tpu.memory_space<semaphore_mem>>)
      } else {
      }
      %eq3A_78 = arith.constant 0 : i32
      %eq3A_79 = arith.cmpi eq, %rem3A_42, %eq3A_78 : i32
      %convert_element_type3A_80 = arith.extui %eq3A_79 : i1 to i32
      %cond3A_81 = arith.constant 0 : i32
      %cond3A_82 = arith.cmpi ne, %convert_element_type3A_80, %cond3A_81 : i32
      scf.if %cond3A_82 {
        %dma_wait3A = arith.constant 0 : i32
        %dma_wait3A_99 = arith.constant 0 : i32
        %dma_wait3A_100 = arith.constant 0 : i32
        %dma_wait3A_101 = arith.constant 0 : i32
        %dma_wait3A_102 = tpu.memref_slice %arg6[%dma_wait3A_99, %dma_wait3A_100, %dma_wait3A_101] : memref<4x128x64xf32, #tpu.memory_space<vmem>> -> memref<1x128x64xf32, #tpu.memory_space<vmem>>
        %dma_wait3A_103 = tpu.memref_squeeze %dma_wait3A_102 : memref<1x128x64xf32, #tpu.memory_space<vmem>> -> memref<128x64xf32, #tpu.memory_space<vmem>>
        %dma_wait3A_104 = arith.constant 0 : i32
        %dma_wait3A_105 = tpu.memref_slice %arg5[%dma_wait3A, %dma_wait3A_104] : memref<50x512xi32, #tpu.memory_space<vmem>> -> memref<1x128xi32, #tpu.memory_space<vmem>>
        %dma_wait3A_106 = tpu.memref_squeeze %dma_wait3A_105 : memref<1x128xi32, #tpu.memory_space<vmem>> -> memref<128xi32, #tpu.memory_space<vmem>>
        %dma_wait3A_107 = arith.constant 0 : i32
        %dma_wait3A_108 = arith.constant 0 : i32
        %dma_wait3A_109 = tpu.memref_slice %arg2[%dma_wait3A_107, %dma_wait3A_108] : memref<100000x64xf32, #tpu.memory_space<hbm>> -> memref<100000x64xf32, #tpu.memory_space<hbm>>
        tpu.wait_indirect_dma semaphore(%arg7 : memref<!tpu.dma_semaphore, #tpu.memory_space<semaphore_mem>>) src(%dma_wait3A_109 : memref<100000x64xf32, #tpu.memory_space<hbm>>) dst(%dma_wait3A_103 : memref<128x64xf32, #tpu.memory_space<vmem>>)
        %jit3A = arith.constant 4 : i32
        %div3A = arith.divsi %scan3A_39, %jit3A : i32
        %sign3A = arith.constant 0 : i32
        %sign3A_110 = arith.cmpi sgt, %scan3A_39, %sign3A : i32
        %sign3A_111 = arith.extui %sign3A_110 : i1 to i32
        %sign3A_112 = arith.constant 0 : i32
        %sign3A_113 = arith.cmpi slt, %scan3A_39, %sign3A_112 : i32
        %sign3A_114 = arith.extui %sign3A_113 : i1 to i32
        %sign3A_115 = arith.subi %sign3A_111, %sign3A_114 : i32
        %sign3A_116 = arith.constant 0 : i32
        %sign3A_117 = arith.cmpi sgt, %jit3A, %sign3A_116 : i32
        %sign3A_118 = arith.extui %sign3A_117 : i1 to i32
        %sign3A_119 = arith.constant 0 : i32
        %sign3A_120 = arith.cmpi slt, %jit3A, %sign3A_119 : i32
        %sign3A_121 = arith.extui %sign3A_120 : i1 to i32
        %sign3A_122 = arith.subi %sign3A_118, %sign3A_121 : i32
        %ne3A = arith.cmpi ne, %sign3A_115, %sign3A_122 : i32
        %rem3A_123 = arith.remsi %scan3A_39, %jit3A : i32
        %ne3A_124 = arith.constant 0 : i32
        %ne3A_125 = arith.cmpi ne, %rem3A_123, %ne3A_124 : i32
        %and3A_126 = arith.andi %ne3A, %ne3A_125 : i1
        %sub3A = arith.constant 1 : i32
        %sub3A_127 = arith.subi %div3A, %sub3A : i32
        %select_n3A = arith.select %and3A_126, %sub3A_127, %div3A : i32
        %rem3A_128 = arith.constant 4 : i32
        %rem3A_129 = arith.remsi %scan3A_39, %rem3A_128 : i32
        %mul3A_130 = arith.constant 256 : i32
        %mul3A_131 = arith.muli %add3A, %mul3A_130 : i32
        %rem3A_132 = arith.constant 2 : i32
        %rem3A_133 = arith.remsi %rem3A_129, %rem3A_132 : i32
        %mul3A_134 = arith.constant 128 : i32
        %mul3A_135 = arith.muli %rem3A_133, %mul3A_134 : i32
        %add3A_136 = arith.addi %mul3A_131, %mul3A_135 : i32
        %jit3A_137 = arith.constant 2 : i32
        %div3A_138 = arith.divsi %rem3A_129, %jit3A_137 : i32
        %sign3A_139 = arith.constant 0 : i32
        %sign3A_140 = arith.cmpi sgt, %rem3A_129, %sign3A_139 : i32
        %sign3A_141 = arith.extui %sign3A_140 : i1 to i32
        %sign3A_142 = arith.constant 0 : i32
        %sign3A_143 = arith.cmpi slt, %rem3A_129, %sign3A_142 : i32
        %sign3A_144 = arith.extui %sign3A_143 : i1 to i32
        %sign3A_145 = arith.subi %sign3A_141, %sign3A_144 : i32
        %sign3A_146 = arith.constant 0 : i32
        %sign3A_147 = arith.cmpi sgt, %jit3A_137, %sign3A_146 : i32
        %sign3A_148 = arith.extui %sign3A_147 : i1 to i32
        %sign3A_149 = arith.constant 0 : i32
        %sign3A_150 = arith.cmpi slt, %jit3A_137, %sign3A_149 : i32
        %sign3A_151 = arith.extui %sign3A_150 : i1 to i32
        %sign3A_152 = arith.subi %sign3A_148, %sign3A_151 : i32
        %ne3A_153 = arith.cmpi ne, %sign3A_145, %sign3A_152 : i32
        %rem3A_154 = arith.remsi %rem3A_129, %jit3A_137 : i32
        %ne3A_155 = arith.constant 0 : i32
        %ne3A_156 = arith.cmpi ne, %rem3A_154, %ne3A_155 : i32
        %and3A_157 = arith.andi %ne3A_153, %ne3A_156 : i1
        %sub3A_158 = arith.constant 1 : i32
        %sub3A_159 = arith.subi %div3A_138, %sub3A_158 : i32
        %select_n3A_160 = arith.select %and3A_157, %sub3A_159, %div3A_138 : i32
        %mul3A_161 = arith.constant 64 : i32
        %mul3A_162 = arith.muli %select_n3A_160, %mul3A_161 : i32
        %run_scoped3A = arith.constant 0 : i32
        "tpu.region"() ({
          %run_scoped3A_163 = tpu.sem_alloc : memref<!tpu.dma_semaphore, #tpu.memory_space<semaphore_mem>>
          %dma_start3A_164 = arith.constant 0 : i32
          %dma_start3A_165 = arith.constant 0 : i32
          %dma_start3A_166 = tpu.memref_slice %arg6[%run_scoped3A, %dma_start3A_164, %dma_start3A_165] : memref<4x128x64xf32, #tpu.memory_space<vmem>> -> memref<1x128x64xf32, #tpu.memory_space<vmem>>
          %dma_start3A_167 = tpu.memref_squeeze %dma_start3A_166 : memref<1x128x64xf32, #tpu.memory_space<vmem>> -> memref<128x64xf32, #tpu.memory_space<vmem>>
          %dma_start3A_168 = tpu.memref_slice %arg4[%select_n3A, %add3A_136, %mul3A_162] : memref<50x8192x128xf32, #tpu.memory_space<hbm>> -> memref<1x128x64xf32, #tpu.memory_space<hbm>>
          %dma_start3A_169 = tpu.memref_squeeze %dma_start3A_168 : memref<1x128x64xf32, #tpu.memory_space<hbm>> -> memref<128x64xf32, #tpu.memory_space<hbm>>
          %dma_start3A_170 = tpu.memref_slice %arg4[%select_n3A, %add3A_136, %mul3A_162] : memref<50x8192x128xf32, #tpu.memory_space<hbm>> -> memref<1x128x64xf32, #tpu.memory_space<hbm>>
          %dma_start3A_171 = tpu.memref_squeeze %dma_start3A_170 : memref<1x128x64xf32, #tpu.memory_space<hbm>> -> memref<128x64xf32, #tpu.memory_space<hbm>>
          %dma_start3A_172 = arith.constant 0 : i32
          %dma_start3A_173 = arith.constant 0 : i32
          %dma_start3A_174 = tpu.memref_slice %arg6[%run_scoped3A, %dma_start3A_172, %dma_start3A_173] : memref<4x128x64xf32, #tpu.memory_space<vmem>> -> memref<1x128x64xf32, #tpu.memory_space<vmem>>
          %dma_start3A_175 = tpu.memref_squeeze %dma_start3A_174 : memref<1x128x64xf32, #tpu.memory_space<vmem>> -> memref<128x64xf32, #tpu.memory_space<vmem>>
          tpu.enqueue_dma source(%dma_start3A_175 : memref<128x64xf32, #tpu.memory_space<vmem>>) target(%dma_start3A_171 : memref<128x64xf32, #tpu.memory_space<hbm>>) target_semaphore(%run_scoped3A_163 : memref<!tpu.dma_semaphore, #tpu.memory_space<semaphore_mem>>)
          %dma_wait3A_176 = arith.constant 0 : i32
          %dma_wait3A_177 = arith.constant 0 : i32
          %dma_wait3A_178 = tpu.memref_slice %arg6[%run_scoped3A, %dma_wait3A_176, %dma_wait3A_177] : memref<4x128x64xf32, #tpu.memory_space<vmem>> -> memref<1x128x64xf32, #tpu.memory_space<vmem>>
          %dma_wait3A_179 = tpu.memref_squeeze %dma_wait3A_178 : memref<1x128x64xf32, #tpu.memory_space<vmem>> -> memref<128x64xf32, #tpu.memory_space<vmem>>
          %dma_wait3A_180 = tpu.memref_slice %arg4[%select_n3A, %add3A_136, %mul3A_162] : memref<50x8192x128xf32, #tpu.memory_space<hbm>> -> memref<1x128x64xf32, #tpu.memory_space<hbm>>
          %dma_wait3A_181 = tpu.memref_squeeze %dma_wait3A_180 : memref<1x128x64xf32, #tpu.memory_space<hbm>> -> memref<128x64xf32, #tpu.memory_space<hbm>>
          %dma_wait3A_182 = tpu.memref_slice %arg4[%select_n3A, %add3A_136, %mul3A_162] : memref<50x8192x128xf32, #tpu.memory_space<hbm>> -> memref<1x128x64xf32, #tpu.memory_space<hbm>>
          %dma_wait3A_183 = tpu.memref_squeeze %dma_wait3A_182 : memref<1x128x64xf32, #tpu.memory_space<hbm>> -> memref<128x64xf32, #tpu.memory_space<hbm>>
          %dma_wait3A_184 = arith.constant 0 : i32
          %dma_wait3A_185 = arith.constant 0 : i32
          %dma_wait3A_186 = tpu.memref_slice %arg6[%run_scoped3A, %dma_wait3A_184, %dma_wait3A_185] : memref<4x128x64xf32, #tpu.memory_space<vmem>> -> memref<1x128x64xf32, #tpu.memory_space<vmem>>
          %dma_wait3A_187 = tpu.memref_squeeze %dma_wait3A_186 : memref<1x128x64xf32, #tpu.memory_space<vmem>> -> memref<128x64xf32, #tpu.memory_space<vmem>>
          tpu.wait_dma2 semaphore(%run_scoped3A_163 : memref<!tpu.dma_semaphore, #tpu.memory_space<semaphore_mem>>) src(%dma_wait3A_187 : memref<128x64xf32, #tpu.memory_space<vmem>>) dst(%dma_wait3A_183 : memref<128x64xf32, #tpu.memory_space<hbm>>)
          tpu.yield
        }) : () -> ()
      } else {
      }
      %eq3A_83 = arith.constant 1 : i32
      %eq3A_84 = arith.cmpi eq, %rem3A_42, %eq3A_83 : i32
      %convert_element_type3A_85 = arith.extui %eq3A_84 : i1 to i32
      %cond3A_86 = arith.constant 0 : i32
      %cond3A_87 = arith.cmpi ne, %convert_element_type3A_85, %cond3A_86 : i32
      scf.if %cond3A_87 {
        %dma_wait3A = arith.constant 0 : i32
        %dma_wait3A_99 = arith.constant 1 : i32
        %dma_wait3A_100 = arith.constant 0 : i32
        %dma_wait3A_101 = arith.constant 0 : i32
        %dma_wait3A_102 = tpu.memref_slice %arg6[%dma_wait3A_99, %dma_wait3A_100, %dma_wait3A_101] : memref<4x128x64xf32, #tpu.memory_space<vmem>> -> memref<1x128x64xf32, #tpu.memory_space<vmem>>
        %dma_wait3A_103 = tpu.memref_squeeze %dma_wait3A_102 : memref<1x128x64xf32, #tpu.memory_space<vmem>> -> memref<128x64xf32, #tpu.memory_space<vmem>>
        %dma_wait3A_104 = arith.constant 0 : i32
        %dma_wait3A_105 = tpu.memref_slice %arg5[%dma_wait3A, %dma_wait3A_104] : memref<50x512xi32, #tpu.memory_space<vmem>> -> memref<1x128xi32, #tpu.memory_space<vmem>>
        %dma_wait3A_106 = tpu.memref_squeeze %dma_wait3A_105 : memref<1x128xi32, #tpu.memory_space<vmem>> -> memref<128xi32, #tpu.memory_space<vmem>>
        %dma_wait3A_107 = arith.constant 0 : i32
        %dma_wait3A_108 = arith.constant 0 : i32
        %dma_wait3A_109 = tpu.memref_slice %arg2[%dma_wait3A_107, %dma_wait3A_108] : memref<100000x64xf32, #tpu.memory_space<hbm>> -> memref<100000x64xf32, #tpu.memory_space<hbm>>
        tpu.wait_indirect_dma semaphore(%arg8 : memref<!tpu.dma_semaphore, #tpu.memory_space<semaphore_mem>>) src(%dma_wait3A_109 : memref<100000x64xf32, #tpu.memory_space<hbm>>) dst(%dma_wait3A_103 : memref<128x64xf32, #tpu.memory_space<vmem>>)
        %jit3A = arith.constant 4 : i32
        %div3A = arith.divsi %scan3A_39, %jit3A : i32
        %sign3A = arith.constant 0 : i32
        %sign3A_110 = arith.cmpi sgt, %scan3A_39, %sign3A : i32
        %sign3A_111 = arith.extui %sign3A_110 : i1 to i32
        %sign3A_112 = arith.constant 0 : i32
        %sign3A_113 = arith.cmpi slt, %scan3A_39, %sign3A_112 : i32
        %sign3A_114 = arith.extui %sign3A_113 : i1 to i32
        %sign3A_115 = arith.subi %sign3A_111, %sign3A_114 : i32
        %sign3A_116 = arith.constant 0 : i32
        %sign3A_117 = arith.cmpi sgt, %jit3A, %sign3A_116 : i32
        %sign3A_118 = arith.extui %sign3A_117 : i1 to i32
        %sign3A_119 = arith.constant 0 : i32
        %sign3A_120 = arith.cmpi slt, %jit3A, %sign3A_119 : i32
        %sign3A_121 = arith.extui %sign3A_120 : i1 to i32
        %sign3A_122 = arith.subi %sign3A_118, %sign3A_121 : i32
        %ne3A = arith.cmpi ne, %sign3A_115, %sign3A_122 : i32
        %rem3A_123 = arith.remsi %scan3A_39, %jit3A : i32
        %ne3A_124 = arith.constant 0 : i32
        %ne3A_125 = arith.cmpi ne, %rem3A_123, %ne3A_124 : i32
        %and3A_126 = arith.andi %ne3A, %ne3A_125 : i1
        %sub3A = arith.constant 1 : i32
        %sub3A_127 = arith.subi %div3A, %sub3A : i32
        %select_n3A = arith.select %and3A_126, %sub3A_127, %div3A : i32
        %rem3A_128 = arith.constant 4 : i32
        %rem3A_129 = arith.remsi %scan3A_39, %rem3A_128 : i32
        %mul3A_130 = arith.constant 256 : i32
        %mul3A_131 = arith.muli %add3A, %mul3A_130 : i32
        %rem3A_132 = arith.constant 2 : i32
        %rem3A_133 = arith.remsi %rem3A_129, %rem3A_132 : i32
        %mul3A_134 = arith.constant 128 : i32
        %mul3A_135 = arith.muli %rem3A_133, %mul3A_134 : i32
        %add3A_136 = arith.addi %mul3A_131, %mul3A_135 : i32
        %jit3A_137 = arith.constant 2 : i32
        %div3A_138 = arith.divsi %rem3A_129, %jit3A_137 : i32
        %sign3A_139 = arith.constant 0 : i32
        %sign3A_140 = arith.cmpi sgt, %rem3A_129, %sign3A_139 : i32
        %sign3A_141 = arith.extui %sign3A_140 : i1 to i32
        %sign3A_142 = arith.constant 0 : i32
        %sign3A_143 = arith.cmpi slt, %rem3A_129, %sign3A_142 : i32
        %sign3A_144 = arith.extui %sign3A_143 : i1 to i32
        %sign3A_145 = arith.subi %sign3A_141, %sign3A_144 : i32
        %sign3A_146 = arith.constant 0 : i32
        %sign3A_147 = arith.cmpi sgt, %jit3A_137, %sign3A_146 : i32
        %sign3A_148 = arith.extui %sign3A_147 : i1 to i32
        %sign3A_149 = arith.constant 0 : i32
        %sign3A_150 = arith.cmpi slt, %jit3A_137, %sign3A_149 : i32
        %sign3A_151 = arith.extui %sign3A_150 : i1 to i32
        %sign3A_152 = arith.subi %sign3A_148, %sign3A_151 : i32
        %ne3A_153 = arith.cmpi ne, %sign3A_145, %sign3A_152 : i32
        %rem3A_154 = arith.remsi %rem3A_129, %jit3A_137 : i32
        %ne3A_155 = arith.constant 0 : i32
        %ne3A_156 = arith.cmpi ne, %rem3A_154, %ne3A_155 : i32
        %and3A_157 = arith.andi %ne3A_153, %ne3A_156 : i1
        %sub3A_158 = arith.constant 1 : i32
        %sub3A_159 = arith.subi %div3A_138, %sub3A_158 : i32
        %select_n3A_160 = arith.select %and3A_157, %sub3A_159, %div3A_138 : i32
        %mul3A_161 = arith.constant 64 : i32
        %mul3A_162 = arith.muli %select_n3A_160, %mul3A_161 : i32
        %run_scoped3A = arith.constant 1 : i32
        "tpu.region"() ({
          %run_scoped3A_163 = tpu.sem_alloc : memref<!tpu.dma_semaphore, #tpu.memory_space<semaphore_mem>>
          %dma_start3A_164 = arith.constant 0 : i32
          %dma_start3A_165 = arith.constant 0 : i32
          %dma_start3A_166 = tpu.memref_slice %arg6[%run_scoped3A, %dma_start3A_164, %dma_start3A_165] : memref<4x128x64xf32, #tpu.memory_space<vmem>> -> memref<1x128x64xf32, #tpu.memory_space<vmem>>
          %dma_start3A_167 = tpu.memref_squeeze %dma_start3A_166 : memref<1x128x64xf32, #tpu.memory_space<vmem>> -> memref<128x64xf32, #tpu.memory_space<vmem>>
          %dma_start3A_168 = tpu.memref_slice %arg4[%select_n3A, %add3A_136, %mul3A_162] : memref<50x8192x128xf32, #tpu.memory_space<hbm>> -> memref<1x128x64xf32, #tpu.memory_space<hbm>>
          %dma_start3A_169 = tpu.memref_squeeze %dma_start3A_168 : memref<1x128x64xf32, #tpu.memory_space<hbm>> -> memref<128x64xf32, #tpu.memory_space<hbm>>
          %dma_start3A_170 = tpu.memref_slice %arg4[%select_n3A, %add3A_136, %mul3A_162] : memref<50x8192x128xf32, #tpu.memory_space<hbm>> -> memref<1x128x64xf32, #tpu.memory_space<hbm>>
          %dma_start3A_171 = tpu.memref_squeeze %dma_start3A_170 : memref<1x128x64xf32, #tpu.memory_space<hbm>> -> memref<128x64xf32, #tpu.memory_space<hbm>>
          %dma_start3A_172 = arith.constant 0 : i32
          %dma_start3A_173 = arith.constant 0 : i32
          %dma_start3A_174 = tpu.memref_slice %arg6[%run_scoped3A, %dma_start3A_172, %dma_start3A_173] : memref<4x128x64xf32, #tpu.memory_space<vmem>> -> memref<1x128x64xf32, #tpu.memory_space<vmem>>
          %dma_start3A_175 = tpu.memref_squeeze %dma_start3A_174 : memref<1x128x64xf32, #tpu.memory_space<vmem>> -> memref<128x64xf32, #tpu.memory_space<vmem>>
          tpu.enqueue_dma source(%dma_start3A_175 : memref<128x64xf32, #tpu.memory_space<vmem>>) target(%dma_start3A_171 : memref<128x64xf32, #tpu.memory_space<hbm>>) target_semaphore(%run_scoped3A_163 : memref<!tpu.dma_semaphore, #tpu.memory_space<semaphore_mem>>)
          %dma_wait3A_176 = arith.constant 0 : i32
          %dma_wait3A_177 = arith.constant 0 : i32
          %dma_wait3A_178 = tpu.memref_slice %arg6[%run_scoped3A, %dma_wait3A_176, %dma_wait3A_177] : memref<4x128x64xf32, #tpu.memory_space<vmem>> -> memref<1x128x64xf32, #tpu.memory_space<vmem>>
          %dma_wait3A_179 = tpu.memref_squeeze %dma_wait3A_178 : memref<1x128x64xf32, #tpu.memory_space<vmem>> -> memref<128x64xf32, #tpu.memory_space<vmem>>
          %dma_wait3A_180 = tpu.memref_slice %arg4[%select_n3A, %add3A_136, %mul3A_162] : memref<50x8192x128xf32, #tpu.memory_space<hbm>> -> memref<1x128x64xf32, #tpu.memory_space<hbm>>
          %dma_wait3A_181 = tpu.memref_squeeze %dma_wait3A_180 : memref<1x128x64xf32, #tpu.memory_space<hbm>> -> memref<128x64xf32, #tpu.memory_space<hbm>>
          %dma_wait3A_182 = tpu.memref_slice %arg4[%select_n3A, %add3A_136, %mul3A_162] : memref<50x8192x128xf32, #tpu.memory_space<hbm>> -> memref<1x128x64xf32, #tpu.memory_space<hbm>>
          %dma_wait3A_183 = tpu.memref_squeeze %dma_wait3A_182 : memref<1x128x64xf32, #tpu.memory_space<hbm>> -> memref<128x64xf32, #tpu.memory_space<hbm>>
          %dma_wait3A_184 = arith.constant 0 : i32
          %dma_wait3A_185 = arith.constant 0 : i32
          %dma_wait3A_186 = tpu.memref_slice %arg6[%run_scoped3A, %dma_wait3A_184, %dma_wait3A_185] : memref<4x128x64xf32, #tpu.memory_space<vmem>> -> memref<1x128x64xf32, #tpu.memory_space<vmem>>
          %dma_wait3A_187 = tpu.memref_squeeze %dma_wait3A_186 : memref<1x128x64xf32, #tpu.memory_space<vmem>> -> memref<128x64xf32, #tpu.memory_space<vmem>>
          tpu.wait_dma2 semaphore(%run_scoped3A_163 : memref<!tpu.dma_semaphore, #tpu.memory_space<semaphore_mem>>) src(%dma_wait3A_187 : memref<128x64xf32, #tpu.memory_space<vmem>>) dst(%dma_wait3A_183 : memref<128x64xf32, #tpu.memory_space<hbm>>)
          tpu.yield
        }) : () -> ()
      } else {
      }
      %eq3A_88 = arith.constant 2 : i32
      %eq3A_89 = arith.cmpi eq, %rem3A_42, %eq3A_88 : i32
      %convert_element_type3A_90 = arith.extui %eq3A_89 : i1 to i32
      %cond3A_91 = arith.constant 0 : i32
      %cond3A_92 = arith.cmpi ne, %convert_element_type3A_90, %cond3A_91 : i32
      scf.if %cond3A_92 {
        %dma_wait3A = arith.constant 0 : i32
        %dma_wait3A_99 = arith.constant 2 : i32
        %dma_wait3A_100 = arith.constant 0 : i32
        %dma_wait3A_101 = arith.constant 0 : i32
        %dma_wait3A_102 = tpu.memref_slice %arg6[%dma_wait3A_99, %dma_wait3A_100, %dma_wait3A_101] : memref<4x128x64xf32, #tpu.memory_space<vmem>> -> memref<1x128x64xf32, #tpu.memory_space<vmem>>
        %dma_wait3A_103 = tpu.memref_squeeze %dma_wait3A_102 : memref<1x128x64xf32, #tpu.memory_space<vmem>> -> memref<128x64xf32, #tpu.memory_space<vmem>>
        %dma_wait3A_104 = arith.constant 0 : i32
        %dma_wait3A_105 = tpu.memref_slice %arg5[%dma_wait3A, %dma_wait3A_104] : memref<50x512xi32, #tpu.memory_space<vmem>> -> memref<1x128xi32, #tpu.memory_space<vmem>>
        %dma_wait3A_106 = tpu.memref_squeeze %dma_wait3A_105 : memref<1x128xi32, #tpu.memory_space<vmem>> -> memref<128xi32, #tpu.memory_space<vmem>>
        %dma_wait3A_107 = arith.constant 0 : i32
        %dma_wait3A_108 = arith.constant 0 : i32
        %dma_wait3A_109 = tpu.memref_slice %arg2[%dma_wait3A_107, %dma_wait3A_108] : memref<100000x64xf32, #tpu.memory_space<hbm>> -> memref<100000x64xf32, #tpu.memory_space<hbm>>
        tpu.wait_indirect_dma semaphore(%arg9 : memref<!tpu.dma_semaphore, #tpu.memory_space<semaphore_mem>>) src(%dma_wait3A_109 : memref<100000x64xf32, #tpu.memory_space<hbm>>) dst(%dma_wait3A_103 : memref<128x64xf32, #tpu.memory_space<vmem>>)
        %jit3A = arith.constant 4 : i32
        %div3A = arith.divsi %scan3A_39, %jit3A : i32
        %sign3A = arith.constant 0 : i32
        %sign3A_110 = arith.cmpi sgt, %scan3A_39, %sign3A : i32
        %sign3A_111 = arith.extui %sign3A_110 : i1 to i32
        %sign3A_112 = arith.constant 0 : i32
        %sign3A_113 = arith.cmpi slt, %scan3A_39, %sign3A_112 : i32
        %sign3A_114 = arith.extui %sign3A_113 : i1 to i32
        %sign3A_115 = arith.subi %sign3A_111, %sign3A_114 : i32
        %sign3A_116 = arith.constant 0 : i32
        %sign3A_117 = arith.cmpi sgt, %jit3A, %sign3A_116 : i32
        %sign3A_118 = arith.extui %sign3A_117 : i1 to i32
        %sign3A_119 = arith.constant 0 : i32
        %sign3A_120 = arith.cmpi slt, %jit3A, %sign3A_119 : i32
        %sign3A_121 = arith.extui %sign3A_120 : i1 to i32
        %sign3A_122 = arith.subi %sign3A_118, %sign3A_121 : i32
        %ne3A = arith.cmpi ne, %sign3A_115, %sign3A_122 : i32
        %rem3A_123 = arith.remsi %scan3A_39, %jit3A : i32
        %ne3A_124 = arith.constant 0 : i32
        %ne3A_125 = arith.cmpi ne, %rem3A_123, %ne3A_124 : i32
        %and3A_126 = arith.andi %ne3A, %ne3A_125 : i1
        %sub3A = arith.constant 1 : i32
        %sub3A_127 = arith.subi %div3A, %sub3A : i32
        %select_n3A = arith.select %and3A_126, %sub3A_127, %div3A : i32
        %rem3A_128 = arith.constant 4 : i32
        %rem3A_129 = arith.remsi %scan3A_39, %rem3A_128 : i32
        %mul3A_130 = arith.constant 256 : i32
        %mul3A_131 = arith.muli %add3A, %mul3A_130 : i32
        %rem3A_132 = arith.constant 2 : i32
        %rem3A_133 = arith.remsi %rem3A_129, %rem3A_132 : i32
        %mul3A_134 = arith.constant 128 : i32
        %mul3A_135 = arith.muli %rem3A_133, %mul3A_134 : i32
        %add3A_136 = arith.addi %mul3A_131, %mul3A_135 : i32
        %jit3A_137 = arith.constant 2 : i32
        %div3A_138 = arith.divsi %rem3A_129, %jit3A_137 : i32
        %sign3A_139 = arith.constant 0 : i32
        %sign3A_140 = arith.cmpi sgt, %rem3A_129, %sign3A_139 : i32
        %sign3A_141 = arith.extui %sign3A_140 : i1 to i32
        %sign3A_142 = arith.constant 0 : i32
        %sign3A_143 = arith.cmpi slt, %rem3A_129, %sign3A_142 : i32
        %sign3A_144 = arith.extui %sign3A_143 : i1 to i32
        %sign3A_145 = arith.subi %sign3A_141, %sign3A_144 : i32
        %sign3A_146 = arith.constant 0 : i32
        %sign3A_147 = arith.cmpi sgt, %jit3A_137, %sign3A_146 : i32
        %sign3A_148 = arith.extui %sign3A_147 : i1 to i32
        %sign3A_149 = arith.constant 0 : i32
        %sign3A_150 = arith.cmpi slt, %jit3A_137, %sign3A_149 : i32
        %sign3A_151 = arith.extui %sign3A_150 : i1 to i32
        %sign3A_152 = arith.subi %sign3A_148, %sign3A_151 : i32
        %ne3A_153 = arith.cmpi ne, %sign3A_145, %sign3A_152 : i32
        %rem3A_154 = arith.remsi %rem3A_129, %jit3A_137 : i32
        %ne3A_155 = arith.constant 0 : i32
        %ne3A_156 = arith.cmpi ne, %rem3A_154, %ne3A_155 : i32
        %and3A_157 = arith.andi %ne3A_153, %ne3A_156 : i1
        %sub3A_158 = arith.constant 1 : i32
        %sub3A_159 = arith.subi %div3A_138, %sub3A_158 : i32
        %select_n3A_160 = arith.select %and3A_157, %sub3A_159, %div3A_138 : i32
        %mul3A_161 = arith.constant 64 : i32
        %mul3A_162 = arith.muli %select_n3A_160, %mul3A_161 : i32
        %run_scoped3A = arith.constant 2 : i32
        "tpu.region"() ({
          %run_scoped3A_163 = tpu.sem_alloc : memref<!tpu.dma_semaphore, #tpu.memory_space<semaphore_mem>>
          %dma_start3A_164 = arith.constant 0 : i32
          %dma_start3A_165 = arith.constant 0 : i32
          %dma_start3A_166 = tpu.memref_slice %arg6[%run_scoped3A, %dma_start3A_164, %dma_start3A_165] : memref<4x128x64xf32, #tpu.memory_space<vmem>> -> memref<1x128x64xf32, #tpu.memory_space<vmem>>
          %dma_start3A_167 = tpu.memref_squeeze %dma_start3A_166 : memref<1x128x64xf32, #tpu.memory_space<vmem>> -> memref<128x64xf32, #tpu.memory_space<vmem>>
          %dma_start3A_168 = tpu.memref_slice %arg4[%select_n3A, %add3A_136, %mul3A_162] : memref<50x8192x128xf32, #tpu.memory_space<hbm>> -> memref<1x128x64xf32, #tpu.memory_space<hbm>>
          %dma_start3A_169 = tpu.memref_squeeze %dma_start3A_168 : memref<1x128x64xf32, #tpu.memory_space<hbm>> -> memref<128x64xf32, #tpu.memory_space<hbm>>
          %dma_start3A_170 = tpu.memref_slice %arg4[%select_n3A, %add3A_136, %mul3A_162] : memref<50x8192x128xf32, #tpu.memory_space<hbm>> -> memref<1x128x64xf32, #tpu.memory_space<hbm>>
          %dma_start3A_171 = tpu.memref_squeeze %dma_start3A_170 : memref<1x128x64xf32, #tpu.memory_space<hbm>> -> memref<128x64xf32, #tpu.memory_space<hbm>>
          %dma_start3A_172 = arith.constant 0 : i32
          %dma_start3A_173 = arith.constant 0 : i32
          %dma_start3A_174 = tpu.memref_slice %arg6[%run_scoped3A, %dma_start3A_172, %dma_start3A_173] : memref<4x128x64xf32, #tpu.memory_space<vmem>> -> memref<1x128x64xf32, #tpu.memory_space<vmem>>
          %dma_start3A_175 = tpu.memref_squeeze %dma_start3A_174 : memref<1x128x64xf32, #tpu.memory_space<vmem>> -> memref<128x64xf32, #tpu.memory_space<vmem>>
          tpu.enqueue_dma source(%dma_start3A_175 : memref<128x64xf32, #tpu.memory_space<vmem>>) target(%dma_start3A_171 : memref<128x64xf32, #tpu.memory_space<hbm>>) target_semaphore(%run_scoped3A_163 : memref<!tpu.dma_semaphore, #tpu.memory_space<semaphore_mem>>)
          %dma_wait3A_176 = arith.constant 0 : i32
          %dma_wait3A_177 = arith.constant 0 : i32
          %dma_wait3A_178 = tpu.memref_slice %arg6[%run_scoped3A, %dma_wait3A_176, %dma_wait3A_177] : memref<4x128x64xf32, #tpu.memory_space<vmem>> -> memref<1x128x64xf32, #tpu.memory_space<vmem>>
          %dma_wait3A_179 = tpu.memref_squeeze %dma_wait3A_178 : memref<1x128x64xf32, #tpu.memory_space<vmem>> -> memref<128x64xf32, #tpu.memory_space<vmem>>
          %dma_wait3A_180 = tpu.memref_slice %arg4[%select_n3A, %add3A_136, %mul3A_162] : memref<50x8192x128xf32, #tpu.memory_space<hbm>> -> memref<1x128x64xf32, #tpu.memory_space<hbm>>
          %dma_wait3A_181 = tpu.memref_squeeze %dma_wait3A_180 : memref<1x128x64xf32, #tpu.memory_space<hbm>> -> memref<128x64xf32, #tpu.memory_space<hbm>>
          %dma_wait3A_182 = tpu.memref_slice %arg4[%select_n3A, %add3A_136, %mul3A_162] : memref<50x8192x128xf32, #tpu.memory_space<hbm>> -> memref<1x128x64xf32, #tpu.memory_space<hbm>>
          %dma_wait3A_183 = tpu.memref_squeeze %dma_wait3A_182 : memref<1x128x64xf32, #tpu.memory_space<hbm>> -> memref<128x64xf32, #tpu.memory_space<hbm>>
          %dma_wait3A_184 = arith.constant 0 : i32
          %dma_wait3A_185 = arith.constant 0 : i32
          %dma_wait3A_186 = tpu.memref_slice %arg6[%run_scoped3A, %dma_wait3A_184, %dma_wait3A_185] : memref<4x128x64xf32, #tpu.memory_space<vmem>> -> memref<1x128x64xf32, #tpu.memory_space<vmem>>
          %dma_wait3A_187 = tpu.memref_squeeze %dma_wait3A_186 : memref<1x128x64xf32, #tpu.memory_space<vmem>> -> memref<128x64xf32, #tpu.memory_space<vmem>>
          tpu.wait_dma2 semaphore(%run_scoped3A_163 : memref<!tpu.dma_semaphore, #tpu.memory_space<semaphore_mem>>) src(%dma_wait3A_187 : memref<128x64xf32, #tpu.memory_space<vmem>>) dst(%dma_wait3A_183 : memref<128x64xf32, #tpu.memory_space<hbm>>)
          tpu.yield
        }) : () -> ()
      } else {
      }
      %eq3A_93 = arith.constant 3 : i32
      %eq3A_94 = arith.cmpi eq, %rem3A_42, %eq3A_93 : i32
      %convert_element_type3A_95 = arith.extui %eq3A_94 : i1 to i32
      %cond3A_96 = arith.constant 0 : i32
      %cond3A_97 = arith.cmpi ne, %convert_element_type3A_95, %cond3A_96 : i32
      scf.if %cond3A_97 {
        %dma_wait3A = arith.constant 0 : i32
        %dma_wait3A_99 = arith.constant 3 : i32
        %dma_wait3A_100 = arith.constant 0 : i32
        %dma_wait3A_101 = arith.constant 0 : i32
        %dma_wait3A_102 = tpu.memref_slice %arg6[%dma_wait3A_99, %dma_wait3A_100, %dma_wait3A_101] : memref<4x128x64xf32, #tpu.memory_space<vmem>> -> memref<1x128x64xf32, #tpu.memory_space<vmem>>
        %dma_wait3A_103 = tpu.memref_squeeze %dma_wait3A_102 : memref<1x128x64xf32, #tpu.memory_space<vmem>> -> memref<128x64xf32, #tpu.memory_space<vmem>>
        %dma_wait3A_104 = arith.constant 0 : i32
        %dma_wait3A_105 = tpu.memref_slice %arg5[%dma_wait3A, %dma_wait3A_104] : memref<50x512xi32, #tpu.memory_space<vmem>> -> memref<1x128xi32, #tpu.memory_space<vmem>>
        %dma_wait3A_106 = tpu.memref_squeeze %dma_wait3A_105 : memref<1x128xi32, #tpu.memory_space<vmem>> -> memref<128xi32, #tpu.memory_space<vmem>>
        %dma_wait3A_107 = arith.constant 0 : i32
        %dma_wait3A_108 = arith.constant 0 : i32
        %dma_wait3A_109 = tpu.memref_slice %arg2[%dma_wait3A_107, %dma_wait3A_108] : memref<100000x64xf32, #tpu.memory_space<hbm>> -> memref<100000x64xf32, #tpu.memory_space<hbm>>
        tpu.wait_indirect_dma semaphore(%arg10 : memref<!tpu.dma_semaphore, #tpu.memory_space<semaphore_mem>>) src(%dma_wait3A_109 : memref<100000x64xf32, #tpu.memory_space<hbm>>) dst(%dma_wait3A_103 : memref<128x64xf32, #tpu.memory_space<vmem>>)
        %jit3A = arith.constant 4 : i32
        %div3A = arith.divsi %scan3A_39, %jit3A : i32
        %sign3A = arith.constant 0 : i32
        %sign3A_110 = arith.cmpi sgt, %scan3A_39, %sign3A : i32
        %sign3A_111 = arith.extui %sign3A_110 : i1 to i32
        %sign3A_112 = arith.constant 0 : i32
        %sign3A_113 = arith.cmpi slt, %scan3A_39, %sign3A_112 : i32
        %sign3A_114 = arith.extui %sign3A_113 : i1 to i32
        %sign3A_115 = arith.subi %sign3A_111, %sign3A_114 : i32
        %sign3A_116 = arith.constant 0 : i32
        %sign3A_117 = arith.cmpi sgt, %jit3A, %sign3A_116 : i32
        %sign3A_118 = arith.extui %sign3A_117 : i1 to i32
        %sign3A_119 = arith.constant 0 : i32
        %sign3A_120 = arith.cmpi slt, %jit3A, %sign3A_119 : i32
        %sign3A_121 = arith.extui %sign3A_120 : i1 to i32
        %sign3A_122 = arith.subi %sign3A_118, %sign3A_121 : i32
        %ne3A = arith.cmpi ne, %sign3A_115, %sign3A_122 : i32
        %rem3A_123 = arith.remsi %scan3A_39, %jit3A : i32
        %ne3A_124 = arith.constant 0 : i32
        %ne3A_125 = arith.cmpi ne, %rem3A_123, %ne3A_124 : i32
        %and3A_126 = arith.andi %ne3A, %ne3A_125 : i1
        %sub3A = arith.constant 1 : i32
        %sub3A_127 = arith.subi %div3A, %sub3A : i32
        %select_n3A = arith.select %and3A_126, %sub3A_127, %div3A : i32
        %rem3A_128 = arith.constant 4 : i32
        %rem3A_129 = arith.remsi %scan3A_39, %rem3A_128 : i32
        %mul3A_130 = arith.constant 256 : i32
        %mul3A_131 = arith.muli %add3A, %mul3A_130 : i32
        %rem3A_132 = arith.constant 2 : i32
        %rem3A_133 = arith.remsi %rem3A_129, %rem3A_132 : i32
        %mul3A_134 = arith.constant 128 : i32
        %mul3A_135 = arith.muli %rem3A_133, %mul3A_134 : i32
        %add3A_136 = arith.addi %mul3A_131, %mul3A_135 : i32
        %jit3A_137 = arith.constant 2 : i32
        %div3A_138 = arith.divsi %rem3A_129, %jit3A_137 : i32
        %sign3A_139 = arith.constant 0 : i32
        %sign3A_140 = arith.cmpi sgt, %rem3A_129, %sign3A_139 : i32
        %sign3A_141 = arith.extui %sign3A_140 : i1 to i32
        %sign3A_142 = arith.constant 0 : i32
        %sign3A_143 = arith.cmpi slt, %rem3A_129, %sign3A_142 : i32
        %sign3A_144 = arith.extui %sign3A_143 : i1 to i32
        %sign3A_145 = arith.subi %sign3A_141, %sign3A_144 : i32
        %sign3A_146 = arith.constant 0 : i32
        %sign3A_147 = arith.cmpi sgt, %jit3A_137, %sign3A_146 : i32
        %sign3A_148 = arith.extui %sign3A_147 : i1 to i32
        %sign3A_149 = arith.constant 0 : i32
        %sign3A_150 = arith.cmpi slt, %jit3A_137, %sign3A_149 : i32
        %sign3A_151 = arith.extui %sign3A_150 : i1 to i32
        %sign3A_152 = arith.subi %sign3A_148, %sign3A_151 : i32
        %ne3A_153 = arith.cmpi ne, %sign3A_145, %sign3A_152 : i32
        %rem3A_154 = arith.remsi %rem3A_129, %jit3A_137 : i32
        %ne3A_155 = arith.constant 0 : i32
        %ne3A_156 = arith.cmpi ne, %rem3A_154, %ne3A_155 : i32
        %and3A_157 = arith.andi %ne3A_153, %ne3A_156 : i1
        %sub3A_158 = arith.constant 1 : i32
        %sub3A_159 = arith.subi %div3A_138, %sub3A_158 : i32
        %select_n3A_160 = arith.select %and3A_157, %sub3A_159, %div3A_138 : i32
        %mul3A_161 = arith.constant 64 : i32
        %mul3A_162 = arith.muli %select_n3A_160, %mul3A_161 : i32
        %run_scoped3A = arith.constant 3 : i32
        "tpu.region"() ({
          %run_scoped3A_163 = tpu.sem_alloc : memref<!tpu.dma_semaphore, #tpu.memory_space<semaphore_mem>>
          %dma_start3A_164 = arith.constant 0 : i32
          %dma_start3A_165 = arith.constant 0 : i32
          %dma_start3A_166 = tpu.memref_slice %arg6[%run_scoped3A, %dma_start3A_164, %dma_start3A_165] : memref<4x128x64xf32, #tpu.memory_space<vmem>> -> memref<1x128x64xf32, #tpu.memory_space<vmem>>
          %dma_start3A_167 = tpu.memref_squeeze %dma_start3A_166 : memref<1x128x64xf32, #tpu.memory_space<vmem>> -> memref<128x64xf32, #tpu.memory_space<vmem>>
          %dma_start3A_168 = tpu.memref_slice %arg4[%select_n3A, %add3A_136, %mul3A_162] : memref<50x8192x128xf32, #tpu.memory_space<hbm>> -> memref<1x128x64xf32, #tpu.memory_space<hbm>>
          %dma_start3A_169 = tpu.memref_squeeze %dma_start3A_168 : memref<1x128x64xf32, #tpu.memory_space<hbm>> -> memref<128x64xf32, #tpu.memory_space<hbm>>
          %dma_start3A_170 = tpu.memref_slice %arg4[%select_n3A, %add3A_136, %mul3A_162] : memref<50x8192x128xf32, #tpu.memory_space<hbm>> -> memref<1x128x64xf32, #tpu.memory_space<hbm>>
          %dma_start3A_171 = tpu.memref_squeeze %dma_start3A_170 : memref<1x128x64xf32, #tpu.memory_space<hbm>> -> memref<128x64xf32, #tpu.memory_space<hbm>>
          %dma_start3A_172 = arith.constant 0 : i32
          %dma_start3A_173 = arith.constant 0 : i32
          %dma_start3A_174 = tpu.memref_slice %arg6[%run_scoped3A, %dma_start3A_172, %dma_start3A_173] : memref<4x128x64xf32, #tpu.memory_space<vmem>> -> memref<1x128x64xf32, #tpu.memory_space<vmem>>
          %dma_start3A_175 = tpu.memref_squeeze %dma_start3A_174 : memref<1x128x64xf32, #tpu.memory_space<vmem>> -> memref<128x64xf32, #tpu.memory_space<vmem>>
          tpu.enqueue_dma source(%dma_start3A_175 : memref<128x64xf32, #tpu.memory_space<vmem>>) target(%dma_start3A_171 : memref<128x64xf32, #tpu.memory_space<hbm>>) target_semaphore(%run_scoped3A_163 : memref<!tpu.dma_semaphore, #tpu.memory_space<semaphore_mem>>)
          %dma_wait3A_176 = arith.constant 0 : i32
          %dma_wait3A_177 = arith.constant 0 : i32
          %dma_wait3A_178 = tpu.memref_slice %arg6[%run_scoped3A, %dma_wait3A_176, %dma_wait3A_177] : memref<4x128x64xf32, #tpu.memory_space<vmem>> -> memref<1x128x64xf32, #tpu.memory_space<vmem>>
          %dma_wait3A_179 = tpu.memref_squeeze %dma_wait3A_178 : memref<1x128x64xf32, #tpu.memory_space<vmem>> -> memref<128x64xf32, #tpu.memory_space<vmem>>
          %dma_wait3A_180 = tpu.memref_slice %arg4[%select_n3A, %add3A_136, %mul3A_162] : memref<50x8192x128xf32, #tpu.memory_space<hbm>> -> memref<1x128x64xf32, #tpu.memory_space<hbm>>
          %dma_wait3A_181 = tpu.memref_squeeze %dma_wait3A_180 : memref<1x128x64xf32, #tpu.memory_space<hbm>> -> memref<128x64xf32, #tpu.memory_space<hbm>>
          %dma_wait3A_182 = tpu.memref_slice %arg4[%select_n3A, %add3A_136, %mul3A_162] : memref<50x8192x128xf32, #tpu.memory_space<hbm>> -> memref<1x128x64xf32, #tpu.memory_space<hbm>>
          %dma_wait3A_183 = tpu.memref_squeeze %dma_wait3A_182 : memref<1x128x64xf32, #tpu.memory_space<hbm>> -> memref<128x64xf32, #tpu.memory_space<hbm>>
          %dma_wait3A_184 = arith.constant 0 : i32
          %dma_wait3A_185 = arith.constant 0 : i32
          %dma_wait3A_186 = tpu.memref_slice %arg6[%run_scoped3A, %dma_wait3A_184, %dma_wait3A_185] : memref<4x128x64xf32, #tpu.memory_space<vmem>> -> memref<1x128x64xf32, #tpu.memory_space<vmem>>
          %dma_wait3A_187 = tpu.memref_squeeze %dma_wait3A_186 : memref<1x128x64xf32, #tpu.memory_space<vmem>> -> memref<128x64xf32, #tpu.memory_space<vmem>>
          tpu.wait_dma2 semaphore(%run_scoped3A_163 : memref<!tpu.dma_semaphore, #tpu.memory_space<semaphore_mem>>) src(%dma_wait3A_187 : memref<128x64xf32, #tpu.memory_space<vmem>>) dst(%dma_wait3A_183 : memref<128x64xf32, #tpu.memory_space<hbm>>)
          tpu.yield
        }) : () -> ()
      } else {
      }
      %scan3A_98 = arith.constant 0 : i32
      scf.yield %scan3A_98 : i32
    }
    %scan3A_38 = arith.constant 200 : i32
    return
  }
}

</mosaic_0001>

<sc_bundles>
// kernel: _sc_gather.3.cloned.1.call-start
scs
__scs_entry_jumppad:
0x0: {  	(pc) =	sbr.rel $0x88, $3  }
0x1: {  	(tag) =	ssettag $0x0;
	lr =	simm.s32 $0x1  }
0x2: {  	[smem:$0x3F9F] =	sst lr;
	_ =	strace $0xD0000000  }
0x3: {  	_ = 	snop  }
0x4: {  	_ = 	snop  }
0x5: {  	_ = 	snop  }
0x6: {  	_ = 	snop  }
0x7: {  	_ = 	snop  }
__scs_overlays_trampoline_lowered:
0x8: {  	[smem:$0x3FAE] =	sst s0  }
0x9: {  	[smem:$0x3FAF] =	sst s1  }
0xa: {  	[smem:$0x3FB0] =	sst s2  }
0xb: {  	[smem:$0x3FB1] =	sst s3  }
0xc: {  	[smem:$0x3FB2] =	sst s4  }
0xd: {  	[smem:$0x3FB3] =	sst s5  }
0xe: {  	[smem:$0x3FB4] =	sst s6  }
0xf: {  	[smem:$0x3FB5] =	sst s7  }
0x10: {  	[smem:$0x3FB6] =	sst s8  }
0x11: {  	[smem:$0x3FB7] =	sst s9;
	s0 =	simm.s32 @!p0 $0x0  }
0x12: {  	s1 =	sld [smem:$0x3F9D];
	s0 =	simm.s32 @p0 $0x1  }
0x13: {  	[smem:$0x3FB8] =	sst s0;
	s0 =	simm.s32 @!p1 $0x0  }
0x14: {  	s2 =	sld [smem:$0x3F9C];
	s0 =	simm.s32 @p1 $0x1  }
0x15: {  	[smem:$0x3FB9] =	sst s0;
	s0 =	simm.s32 @!p2 $0x0  }
0x16: {  	s3 =	sld [smem:$0x3FDB];
	s0 =	simm.s32 @p2 $0x1  }
0x17: {  	s4 =	simm.s32 $0x1BF5;
	[smem:$0x3FBB] =	sst s0  }
0x18: {  	s0 =	sld [smem:$0x3F9E];
	_ =	swait.ge [sflag:s4], $0x0  }
0x19: {  	s7 =	sld [smem:$0x3F9F]  }
0x1a: {  	s8 =	sadd.s32 $0xFFFFE003, lr  }
0x1b: {  	s9 =	sadd.s32 $0xFFFFFEF7, lr;
	s5 =	simm.s32 $0xFFFFFFFF;
	p2 =	slt.u32 s8, $0xFFFFF086  }
0x1c: {  	p1 =	slt.u32 s9, $0xF7A;
	s5 =	simm.s32 @!p2 $0x0  }
0x1d: {  	s5 =	simm.s32 @p1 $0x1;
	p0 =	seq.s32 s7, s2  }
0x1e: {  	s7 =	smul.u32 @!p0 $0xF7A, s2;
	p2 =	seq.s32 @!p0 s5, $0x0  }
0x1f: {  	s9 =	smul.u32 $0xF7A, s1;
	s8 =	simm.s32 @!p0 $0x1BF5;
	p2 =	por !p2, p0  }
0x20: {  	[sflag:s8] =	ssyncset.s32 @!p0 $0xFFFFF086;
	s6 =	sadd.s32 @!p0 s3, s7;
	s7 =	simm.s32 @!p0 $0x108  }
0x21: {  	s3 =	sadd.s32 s3, s9;
	s6 =	sadd.s32 @!p0 $0x88, s6;
	s7 =	simm.s32 @p2 $0x1082  }
0x22: {  	[simem:s7], [sflag:s8] =	dma.local @!p0 [hbm:s6], $0xF7A  }
0x23: {  	s9 =	sor.u32 $0xD0000000, s2;
	s6 =	simm.s32 $0x108;
	_ =	swait.ge @!p0 [sflag:s8], $0x0  }
0x24: {  	s3 =	sadd.s32 $0x88, s3;
	s6 =	simm.s32 @!p1 $0x1082;
	[sflag:s4] =	ssyncset.s32 $0xFFFFF086  }
0x25: {  	[simem:s6], [sflag:s4] =	dma.local [hbm:s3], $0xF7A  }
0x26: {  	[smem:$0x3F9F] =	sst s1;
	(tag) =	ssettag s2;
	_ =	strace s9  }
0x27: {  	s1 =	sld [smem:$0x3FAF]  }
0x28: {  	s2 =	sld [smem:$0x3FB0]  }
0x29: {  	s4 =	sld [smem:$0x3FB2]  }
0x2a: {  	p0 =	seq.s32 s5, $0x0;
	s5 =	sld [smem:$0x3FB3]  }
0x2b: {  	s6 =	sld [smem:$0x3FB4]  }
0x2c: {  	s7 =	sld [smem:$0x3FB5]  }
0x2d: {  	s3 =	simm.s32 $0x108;
	s8 =	sld [smem:$0x3FB6]  }
0x2e: {  	s3 =	simm.s32 @!p0 $0x1082;
	s9 =	sld [smem:$0x3FB7]  }
0x2f: {  	lr =	sadd.s32 s0, s3;
	s0 =	sld [smem:$0x3FAE]  }
0x30: {  	s3 =	sld [smem:$0x3FB1]  }
0x31: {  	[smem:$0x3FBA] =	sst s10  }
0x32: {  	s10 =	sld [smem:$0x3FB8];
	_ =	sdelay $0x3  }
0x33: {  	p0 =	seq.s32 s10, $0x1;
	s10 =	sld [smem:$0x3FBA];
	_ =	sdelay $0x3  }
0x34: {  	[smem:$0x3FBA] =	sst s10  }
0x35: {  	s10 =	sld [smem:$0x3FB9];
	_ =	sdelay $0x3  }
0x36: {  	p1 =	seq.s32 s10, $0x1;
	s10 =	sld [smem:$0x3FBA];
	_ =	sdelay $0x3  }
0x37: {  	[smem:$0x3FBA] =	sst s10  }
0x38: {  	s10 =	sld [smem:$0x3FBB]  }
0x39: {  	_ = 	snop;
	(pc) =	sbr.ind lr, $3  }
0x3a: {  	_ = 	snop  }
0x3b: {  	_ = 	snop  }
0x3c: {  	p2 =	seq.s32 s10, $0x1;
	s10 =	sld [smem:$0x3FBA]  }
0x3d: {  	_ =	shalt  }
0x3e: {  	_ =	shalt  }
0x3f: {  	_ =	shalt  }
0x40: {  	_ =	shalt  }
0x41: {  	_ =	shalt  }
0x42: {  	_ =	shalt  }
0x43: {  	_ =	shalt  }
0x44: {  	_ =	shalt  }
0x45: {  	_ =	shalt  }
0x46: {  	_ =	shalt  }
0x47: {  	_ =	shalt  }
0x48: {  	_ =	shalt  }
0x49: {  	_ =	shalt  }
0x4a: {  	_ =	shalt  }
0x4b: {  	_ =	shalt  }
0x4c: {  	_ =	shalt  }
0x4d: {  	_ =	shalt  }
0x4e: {  	_ =	shalt  }
0x4f: {  	_ =	shalt  }
0x50: {  	_ =	shalt  }
0x51: {  	_ =	shalt  }
0x52: {  	_ =	shalt  }
0x53: {  	_ =	shalt  }
0x54: {  	_ =	shalt  }
0x55: {  	_ =	shalt  }
0x56: {  	_ =	shalt  }
0x57: {  	_ =	shalt  }
0x58: {  	_ =	shalt  }
0x59: {  	_ =	shalt  }
0x5a: {  	_ =	shalt  }
0x5b: {  	_ =	shalt  }
0x5c: {  	_ =	shalt  }
0x5d: {  	_ =	shalt  }
0x5e: {  	_ =	shalt  }
0x5f: {  	_ =	shalt  }
0x60: {  	_ =	shalt  }
0x61: {  	_ =	shalt  }
0x62: {  	_ =	shalt  }
0x63: {  	_ =	shalt  }
0x64: {  	_ =	shalt  }
0x65: {  	_ =	shalt  }
0x66: {  	_ =	shalt  }
0x67: {  	_ =	shalt  }
0x68: {  	_ =	shalt  }
0x69: {  	_ =	shalt  }
0x6a: {  	_ =	shalt  }
0x6b: {  	_ =	shalt  }
0x6c: {  	_ =	shalt  }
0x6d: {  	_ =	shalt  }
0x6e: {  	_ =	shalt  }
0x6f: {  	_ =	shalt  }
0x70: {  	_ =	shalt  }
0x71: {  	_ =	shalt  }
0x72: {  	_ =	shalt  }
0x73: {  	_ =	shalt  }
0x74: {  	_ =	shalt  }
0x75: {  	_ =	shalt  }
0x76: {  	_ =	shalt  }
0x77: {  	_ =	shalt  }
0x78: {  	_ =	shalt  }
0x79: {  	_ =	shalt  }
0x7a: {  	_ =	shalt  }
0x7b: {  	_ =	shalt  }
0x7c: {  	_ =	shalt  }
0x7d: {  	_ =	shalt  }
0x7e: {  	_ =	shalt  }
0x7f: {  	_ =	shalt  }
0x80: {  	_ =	shalt  }
0x81: {  	_ =	shalt  }
0x82: {  	_ =	shalt  }
0x83: {  	_ =	shalt  }
0x84: {  	_ =	shalt  }
0x85: {  	_ =	shalt  }
0x86: {  	_ =	shalt  }
0x87: {  	_ =	shalt  }
.Lfunc_end0:
.L_simem_size_0:
called_computation_lowered:
.L_overlay_start_0:
0x88: {  	s2 =	sld [smem:$0x3FD9]  }
0x89: {  	s3 =	sld [smem:$0x3FFE];
	_ =	sdelay $0x1  }
0x8a: {  	s1 =	srdreg.scid  }
0x8b: {  	s0 =	sand.u32 $0x1, s1  }
0x8c: {  	s17 =	sshll.u32 s0, $0xA;
	s2 =	sadd.s32 s3, s2  }
0x8d: {  	s2 =	sadd.s32 s2, s17  }
0x8e: {  	[smem:$0x3FC6] =	sst s2  }
0x8f: {  	_ = 	snop  }
0x90: {  	s2 =	sld [smem:$0x3FD0];
	(tm) =	ssettm $0x1  }
0x91: {  	s18 =	sld [smem:$0x3FFB];
	_ =	sdelay $0x3  }
0x92: {  	_ =	strace s18  }
0x93: {  	s3 =	sld [smem:$0x3FFC];
	_ =	sdelay $0x3  }
0x94: {  	_ =	strace s3  }
0x95: {  	s3 =	sld [smem:$0x3FFD];
	_ =	sdelay $0x3  }
0x96: {  	_ =	strace s3  }
0x97: {  	_ =	strace $0x8FFFFFFF  }
0x98: {  	s19 =	sld [smem:$0x3FDB];
	_ =	sdelay $0x1  }
0x99: {  	s4 =	simm.s32 $_scs_section_size  }
0x9a: {  	s5 =	simm.s32 $_size__tile_overlayer_lowered;
	s6 =	simm.s32 $_tile_overlayer_lowered  }
0x9b: {  	s22 =	simm.s32 $0x1BFF;
	s21 =	sshll.u32 s6, $0x1;
	s3 =	sadd.s32 s4, s19  }
0x9c: {  	s7 =	simm.s32 $0x0;
	s20 =	sshll.u32 s5, $0x1;
	s5 =	sadd.s32 s21, s3  }
0x9d: {  	[timem:s7], [sflag:s22] =	dma.local [hbm:s5], s20  }
0x9e: {  	_ =	swait.ge [sflag:s22], s20  }
0x9f: {  	s4 =	ssub.s32 $0x0, s20;
	[sflag:s22] =	ssyncset.done $0x0  }
0xa0: {  	[sflag:s22] =	ssyncadd.s32 s4;
	_ =	sdelay $0x1  }
0xa1: {  	s23 =	simm.s32 $0x1B8B  }
0xa2: {  	_ =	swait.ge [sflag:s23], $0x1  }
0xa3: {  	[sflag:s23] =	ssyncset.done $0x0  }
0xa4: {  	s25 =	simm.s32 $0x1B8E;
	s24 =	sld [smem:$0x3FFE];
	[sflag:s23] =	ssyncadd.s32 $0xFFFFFFFF  }
0xa5: {  	s26 =	simm.s32 $execute0_lowered;
	[smem:$0x3FD2] =	sst s25  }
0xa6: {  	s5 =	sshll.u32 s26, $0x1;
	_ =	strace $0x80000046;
	[dreg:$0x1] =	wrdreg $0xFFFFFFFF  }
0xa7: {  	s28 =	simm.s32 $_size_execute0_lowered;
	s3 =	sadd.s32 s3, s5;
	[dreg:$0x0] =	wrdreg $0x0  }
0xa8: {  	s5 =	sshll.u32 s28, $0x1;
	[dreg:$0x2] =	wrdreg s3  }
0xa9: {  	[dreg:$0x3] =	wrdreg s5  }
0xaa: {  	[dreg:$0x4] =	wrdreg $0xC0  }
0xab: {  	_ =	task [dreg:s7], $0x5FFFF  }
0xac: {  	[dreg:$0x1] =	wrdreg $0xFFFFFFFF  }
0xad: {  	[dreg:$0x0] =	wrdreg $0x60  }
0xae: {  	[dreg:$0x2] =	wrdreg s24  }
0xaf: {  	[dreg:$0x3] =	wrdreg s2  }
0xb0: {  	[dreg:$0x4] =	wrdreg $0x9  }
0xb1: {  	_ =	task.clear_ibuf [dreg:s7], $0x5FFFF;
	_ =	strace $0x90000046  }
0xb2: {  	s29 =	simm.s32 $0x9;
	_ =	strace $0x80000048  }
0xb3: {  	_ =	swait.ge [sflag:s29], $0x1  }
0xb4: {  	[sflag:s29] =	ssyncadd.s32 $0xFFFFFFFF  }
0xb5: {  	_ =	strace $0x90000048  }
0xb6: {  	_ =	sfence  }
0xb7: {  	s30 =	sld [smem:$0x0];
	_ =	sdelay $0x2  }
0xb8: {  	s31 =	sshll.u32 s1, $0xD;
	s1 =	sshrl.u32 s1, $0x2  }
0xb9: {  	s3 =	sand.u32 $0x4000, s31;
	s1 =	sadd.s32 s1, s30  }
0xba: {  	s0 =	sor.u32 s3, s0;
	s1 =	sshll.u32 s1, $0x11  }
0xbb: {  	s0 =	sor.u32 s1, s0  }
0xbc: {  	s0 =	sadd.s32 $0x8F2B, s0  }
0xbd: {  	[sflag:s0] =	ssyncadd.remote.s32 $0x1  }
0xbe: {  	_ =	sfence.sel $0xFFFF  }
0xbf: {  	[dreg:$0x0] =	wrdreg $0xFFFFFFFF;
	(pc) =	sbr.abs _section_cstart, $3  }
0xc0: {  	[dreg:$0x1] =	wrdreg $0xFFFFFFFF  }
0xc1: {  	_ =	task.clear_ibuf [dreg:s7], $0x2FFFF;
	_ =	strace $0x9FFFFFFF  }
0xc2: {  	(tm) =	ssettm $0x7FFFFFFF  }
0xc3: {  	_ =	shalt  }
tec
execute0_lowered:
.L_overlay_start_1:
0x0: {  	(tag) =	ssettag $0x1  }
0x1: {  	s4 =	rddreg [dreg:$0x0]  }
0x2: {  	s7 =	rddreg [dreg:$0x1]  }
0x3: {  	s0 =	rddreg [dreg:$0x2];
	s2 =	simm.s32 $0x0;
	s3 =	srdreg.scid  }
0x4: {  	s1 =	stileid.u32;
	s13 =	simm.s32 $0x80;
	s14 =	simm.s32 $0x6400  }
0x5: {  	s15 =	simm.s32 $0x8400;
	s16 =	simm.s32 $0xA400;
	s17 =	simm.s32 $0x1  }
0x6: {  	s18 =	simm.s32 $0x40;
	s19 =	simm.s32 $0x6;
	s20 =	simm.s32 $0x2  }
0x7: {  	s21 =	simm.s32 $0x3;
	s22 =	simm.s32 $0x4;
	s23 =	simm.s32 $0xC400  }
0x8: {  	s24 =	simm.s32 $0x0;
	[smem:$0x7FF] =	sst s2;
	s8 =	sand.u32 $0x1, s3  }
0x9: {  	s5 =	sshll.u32 s1, $0x1;
	s3 =	sadd.s32 $0x19400, s4;
	s11 =	sshll.u32 s1, $0xD  }
0xa: {  	_ =	strace $0x80000047;
	s5 =	sor.u32 s8, s5;
	s6 =	ssub.s32 $0x2, s8  }
0xb: {  	s11 =	sadd.s32 s11, s7;
	s12 =	sshll.u32 s8, $0xC;
	s9 =	sshll.u32 s5, $0x6  }
.Ltmp0:
0xc: {  	s10 =	sshrl.u32 s6, $0x1;
	s5 =	sshll.u32 s5, $0xC;
	(pc) =	sbr.rel .LBB2_1-.Ltmp0, $4  }
0xd: {  	s4 =	sadd.s32 s9, s4;
	s30 =	ssub.s32 s6, s10;
	s31 =	sadd.s32 s5, s7  }
0xe: {  	s9 =	sadd.s32 s12, s11;
	s10 =	simm.s32 $0x200;
	s11 =	simm.s32 $0x4000  }
0xf: {  	s12 =	simm.s32 $0x5;
	s4 =	sadd.s32 $0x400, s4;
	s5 =	sadd.s32 $0x800, s31  }
0x10: {  	s6 =	sadd.s32 $0x8, s31;
	s7 =	sadd.s32 $0x808, s31;
	s8 =	smax.u32 s30, $0x1  }
.LBB2_21:
0x11: {  	s24 =	sadd.s32 $0x1, s24  }
0x12: {  	p0 =	sne.s32 s24, s8  }
.Ltmp1:
0x13: {  	_ = 	snop;
	(pc) =	sbr.rel @!p0 .LBB2_22-.Ltmp1, $1  }
0x14: {  	_ =	sdelay $0x3  }
.LBB2_1:
0x15: {  	[tilespmem:s2], [sflag:$0x5] =	stream.strided.gather [hbm4b:s4+s10], $0x6400, s11, s10, $0x38;
	[tilespmem:$0xE400] =	vst v63  }
0x16: {  	_ =	swait.ge [sflag:s12], $0x6400  }
.Ltmp2:
0x17: {  	[sflag:s12] =	ssyncset.done $0x0;
	(pc) =	sbr.rel .LBB2_2-.Ltmp2, $4  }
0x18: {  	[sflag:s12] =	ssyncadd.s32 $0xFFFF9C00  }
0x19: {  	[tilespmem:s14], [sflag:$0x1] =	stream.indirect.gather [hbm4b:s3+s13], $0x40, s2, s13, $0xb8;
	[tilespmem:$0xE400] =	vst v63  }
0x1a: {  	s25 =	simm.s32 $0x400;
	s26 =	simm.s32 $0x0;
	s28 =	simm.s32 $0x0  }
0x1b: {  	[tilespmem:s15], [sflag:$0x2] =	stream.indirect.gather [hbm4b:s3+s13], $0x40, s13, s13, $0xb8;
	[tilespmem:$0xE400] =	vst v63  }
.LBB2_7:
0x1c: {  	p1 =	sne.s32 @!p0 s29, $0x3  }
0x1d: {  	p0 =	por p0, p1  }
.Ltmp3:
0x1e: {  	_ = 	snop;
	(pc) =	sbr.rel @p0 .LBB2_11-.Ltmp3, $1  }
0x1f: {  	_ =	sdelay $0x3  }
0x20: {  	s29 =	sand.u32 $0x3F800, s25  }
0x21: {  	s29 =	sshrl.u32 s29, $0x2  }
0x22: {  	s29 =	sor.u32 $0x80, s29  }
0x23: {  	[tilespmem:s15], [sflag:$0x2] =	stream.indirect.gather [hbm4b:s3+s13], $0x40, s29, s13, $0xb8;
	[tilespmem:$0xE400] =	vst v63  }
.LBB2_9:
0x24: {  	s29 =	sand.u32 $0x7E0000, s26  }
.LBB2_19:
0x25: {  	_ =	swait.ge [sflag:s22], $0x2000  }
0x26: {  	[sflag:s22] =	ssyncset.done $0x0  }
0x27: {  	s29 =	sadd.s32 s29, s7;
	[sflag:s22] =	ssyncadd.s32 $0xFFFFE000  }
0x28: {  	[hbm4b:s29+s18] =	stream.strided.scatter [tilespmem:s23], [sflag:$0x5], $0x2000, s13, s18, $0x38;
	[tilespmem:$0xE400] =	vst v63  }
0x29: {  	_ =	swait.ge [sflag:s12], $0x2000  }
0x2a: {  	[sflag:s12] =	ssyncset.done $0x0  }
0x2b: {  	[sflag:s12] =	ssyncadd.s32 $0xFFFFE000  }
.LBB2_20:
0x2c: {  	s26 =	sadd.s32 $0x8000, s26  }
0x2d: {  	p0 =	sne.s32 s26, $0x640000  }
.Ltmp4:
0x2e: {  	_ = 	snop;
	(pc) =	sbr.rel @!p0 .LBB2_21-.Ltmp4, $2  }
0x2f: {  	_ =	sdelay $0x2  }
0x30: {  	s28 =	sadd.s32 $0x1, s28;
	s25 =	sadd.s32 $0x200, s25  }
.LBB2_2:
0x31: {  	s29 =	sand.u32 $0x3, s28;
	p0 =	sgt.u32 s28, $0xC5  }
0x32: {  	p1 =	sne.s32 @!p0 s29, $0x0  }
0x33: {  	p1 =	por p0, p1  }
.Ltmp5:
0x34: {  	_ = 	snop;
	(pc) =	sbr.rel @p1 .LBB2_4-.Ltmp5, $1  }
0x35: {  	_ =	sdelay $0x3  }
0x36: {  	s29 =	sand.u32 $0x1F800, s25  }
0x37: {  	p1 =	por $0x0, $0x0;
	s29 =	sshrl.u32 s29, $0x2  }
0x38: {  	p2 =	por $0x0, $0x0;
	p0 =	por $0x0, $0x0;
	s29 =	sor.u32 $0x100, s29  }
0x39: {  	[tilespmem:s16], [sflag:$0x3] =	stream.indirect.gather [hbm4b:s3+s13], $0x40, s29, s13, $0xb8;
	[tilespmem:$0xE400] =	vst v63  }
.LBB2_13:
0x3a: {  	_ =	swait.ge [sflag:s17], $0x2000  }
0x3b: {  	[sflag:s17] =	ssyncset.done $0x0  }
.Ltmp6:
0x3c: {  	s29 =	sadd.s32 s26, s9;
	[sflag:s17] =	ssyncadd.s32 $0xFFFFE000;
	(pc) =	sbr.rel @p2 .LBB2_14-.Ltmp6, $4  }
0x3d: {  	[hbm4b:s29+s18] =	stream.strided.scatter [tilespmem:s14], [sflag:$0x6], $0x2000, s13, s18, $0x38;
	[tilespmem:$0xE400] =	vst v63  }
0x3e: {  	_ =	swait.ge [sflag:s19], $0x2000  }
0x3f: {  	[sflag:s19] =	ssyncset.done $0x0  }
0x40: {  	[sflag:s19] =	ssyncadd.s32 $0xFFFFE000  }
.LBB2_16:
.Ltmp7:
0x41: {  	(pc) =	sbr.rel @!p1 .LBB2_15-.Ltmp7, $4  }
.Ltmp8:
0x42: {  	(pc) =	sbr.rel @p1 .LBB2_17-.Ltmp8, $4  }
0x43: {  	_ = 	snop  }
0x44: {  	_ = 	snop  }
0x45: {  	_ = 	snop  }
0x46: {  	_ = 	snop  }
.LBB2_4:
0x47: {  	p1 =	sne.s32 @!p0 s29, $0x1  }
0x48: {  	p1 =	por p0, p1  }
.Ltmp9:
0x49: {  	_ = 	snop;
	(pc) =	sbr.rel @p1 .LBB2_6-.Ltmp9, $1  }
0x4a: {  	_ =	sdelay $0x3  }
0x4b: {  	s29 =	sand.u32 $0x1F800, s25  }
0x4c: {  	s29 =	sshrl.u32 s29, $0x2  }
0x4d: {  	p1 =	por $0x0, $0x0;
	p0 =	por $0x0, $0x0;
	s29 =	sor.u32 $0x180, s29  }
0x4e: {  	[tilespmem:s23], [sflag:$0x4] =	stream.indirect.gather [hbm4b:s3+s13], $0x40, s29, s13, $0xb8;
	[tilespmem:$0xE400] =	vst v63  }
.LBB2_14:
0x4f: {  	_ =	swait.ge [sflag:s20], $0x2000  }
0x50: {  	s29 =	sand.u32 $0x7E0000, s26;
	[sflag:s20] =	ssyncset.done $0x0  }
.Ltmp10:
0x51: {  	s30 =	sadd.s32 s29, s5;
	[sflag:s20] =	ssyncadd.s32 $0xFFFFE000;
	(pc) =	sbr.rel @p1 .LBB2_18-.Ltmp10, $4  }
0x52: {  	[hbm4b:s30+s18] =	stream.strided.scatter [tilespmem:s15], [sflag:$0x6], $0x2000, s13, s18, $0x38;
	[tilespmem:$0xE400] =	vst v63  }
0x53: {  	_ =	swait.ge [sflag:s19], $0x2000  }
0x54: {  	[sflag:s19] =	ssyncset.done $0x0  }
0x55: {  	[sflag:s19] =	ssyncadd.s32 $0xFFFFE000  }
.LBB2_15:
.Ltmp11:
0x56: {  	(pc) =	sbr.rel @!p0 .LBB2_20-.Ltmp11, $4  }
.Ltmp12:
0x57: {  	(pc) =	sbr.rel @p0 .LBB2_9-.Ltmp12, $4  }
0x58: {  	_ = 	snop  }
0x59: {  	_ = 	snop  }
0x5a: {  	_ = 	snop  }
0x5b: {  	_ = 	snop  }
.LBB2_6:
0x5c: {  	p1 =	seq.s32 @!p0 s29, $0x2  }
0x5d: {  	p1 =	por p0, !p1  }
.Ltmp13:
0x5e: {  	_ = 	snop;
	(pc) =	sbr.rel @p1 .LBB2_7-.Ltmp13, $1  }
0x5f: {  	_ =	sdelay $0x3  }
0x60: {  	s29 =	sshra.s32 s25, $0x2;
	p0 =	por $0x0, $0x0  }
0x61: {  	[tilespmem:s14], [sflag:$0x1] =	stream.indirect.gather [hbm4b:s3+s13], $0x40, s29, s13, $0xb8;
	[tilespmem:$0xE400] =	vst v63  }
.LBB2_17:
0x62: {  	s29 =	sand.u32 $0x7E0000, s26  }
.LBB2_18:
0x63: {  	_ =	swait.ge [sflag:s21], $0x2000  }
0x64: {  	[sflag:s21] =	ssyncset.done $0x0  }
0x65: {  	s30 =	sadd.s32 s29, s6;
	[sflag:s21] =	ssyncadd.s32 $0xFFFFE000  }
0x66: {  	[hbm4b:s30+s18] =	stream.strided.scatter [tilespmem:s16], [sflag:$0x6], $0x2000, s13, s18, $0x38;
	[tilespmem:$0xE400] =	vst v63  }
.Ltmp14:
0x67: {  	_ = 	snop;
	(pc) =	sbr.rel @!p0 .LBB2_20-.Ltmp14, $4  }
.Ltmp15:
0x68: {  	_ = 	snop;
	(pc) =	sbr.rel @p0 .LBB2_19-.Ltmp15, $4  }
0x69: {  	_ =	swait.ge [sflag:s19], $0x2000  }
0x6a: {  	[sflag:s19] =	ssyncset.done $0x0  }
0x6b: {  	[sflag:s19] =	ssyncadd.s32 $0xFFFFE000  }
0x6c: {  	_ = 	snop  }
.LBB2_11:
0x6d: {  	p2 =	seq.s32 s29, $0x1  }
.Ltmp16:
0x6e: {  	_ = 	snop;
	(pc) =	sbr.rel @p2 .LBB2_14-.Ltmp16, $2  }
0x6f: {  	_ =	sdelay $0x2  }
0x70: {  	p1 =	seq.s32 s29, $0x2;
	p0 =	seq.s32 s29, $0x3  }
0x71: {  	p3 =	sne.s32 s29, $0x0  }
.Ltmp17:
0x72: {  	_ = 	snop;
	(pc) =	sbr.rel @!p3 .LBB2_13-.Ltmp17, $4  }
.Ltmp18:
0x73: {  	_ = 	snop;
	(pc) =	sbr.rel @p3 .LBB2_16-.Ltmp18, $4  }
0x74: {  	_ = 	snop  }
0x75: {  	_ = 	snop  }
0x76: {  	_ = 	snop  }
0x77: {  	_ = 	snop  }
.LBB2_22:
0x78: {  	_ =	sfence.sel $0x180000  }
0x79: {  	[bflag:$0x0] =	sbarrier.arrive $0xFFFF  }
0x7a: {  	p0 =	sne.s32 s1, $0x0;
	_ =	strace $0x90000047  }
0x7b: {  	s0 =	sadd.s32 @!p0 $0x100000, s0;
	[bflag:$0x2] =	sbarrier.arrive $0xFFFF  }
0x7c: {  	[sflag:s0] =	ssyncadd.tile.s32 @!p0 $0x1;
	_ =	shalt  }
.Lfunc_end2:
_tile_overlayer_lowered:
.L_overlay_start_2:
0x7d: {  	(tag) =	ssettag $0x2  }
0x7e: {  	s0 =	rddreg [dreg:$0x0];
	s2 =	stileid.u32  }
0x7f: {  	s1 =	rddreg [dreg:$0x1];
	p0 =	sne.s32 s2, $0x0  }
0x80: {  	s3 =	rddreg [dreg:$0x2];
	[bflag:$0x3] =	sbarrier.arrive $0xFFFF;
	s2 =	simm.s32 @!p0 $0x1C05  }
0x81: {  	[timem:s3], [sflag:s2] =	dma.local @!p0 [hbm:s0], s1  }
0x82: {  	s0 =	simm.s32 @!p0 $0x5  }
0x83: {  	_ =	swait.ge @!p0 [sflag:s0], s1  }
0x84: {  	s1 =	ssub.s32 @!p0 $0x0, s1;
	[sflag:s0] =	ssyncset.done @!p0 $0x0  }
0x85: {  	[sflag:s0] =	ssyncadd.s32 @!p0 s1  }
0x86: {  	[bflag:$0x3] =	sbarrier.arrive $0xFFFF  }
0x87: {  	_ =	shalt  }

</sc_bundles>
